<compile_context>
chip_gen: v7x
topology: tpu7x:2x2x1
jax: 0.10.2.dev20260603
libtpu: 0.0.44.dev20260713+nightly
codegen_flags: <defaults>
</compile_context>

<pallas_src>
import jax
import jax.numpy as jnp
from jax import lax
from jax.experimental import pallas as pl
from jax.experimental.pallas import tpu as pltpu
from jax.experimental.pallas import tpu_sc as plsc

VOCAB = 400000
D = 50
DPW = 64
B = 4096
L = 350
LP = 352
NW = 32
RPT = B // NW
INV_L = 1.0 / L
HI16 = jnp.int32(-65536)


def _glove_sc_body(table_hbm, idx_hbm, out_hbm, idx_v, rows0_v, rows1_v,
                   rows2_v, stage_v, sem0, sem1, sem2):
    wid = lax.axis_index("s") * 2 + lax.axis_index("c")
    base = wid * RPT

    pltpu.sync_copy(idx_hbm.at[pl.ds(base, RPT)], idx_v)

    lanes = lax.iota(jnp.int32, 16)
    col_e0 = 2 * lanes
    col_o0 = 2 * lanes + 1
    col_e1 = 32 + 2 * lanes
    col_o1 = 33 + 2 * lanes
    tmask = lanes < 9

    def issue(b, buf, sem):
        pltpu.async_copy(table_hbm.at[idx_v.at[b, pl.ds(0, 128)]],
                         buf.at[pl.ds(0, 128)], sem)
        pltpu.async_copy(table_hbm.at[idx_v.at[b, pl.ds(128, 128)]],
                         buf.at[pl.ds(128, 128)], sem)
        pltpu.async_copy(table_hbm.at[idx_v.at[b, pl.ds(256, 94)]],
                         buf.at[pl.ds(256, 94)], sem)

    def issue_if(b, buf, sem):
        @pl.when(b < RPT)
        def _():
            issue(b, buf, sem)

    def drain(buf, sem):
        pltpu.make_async_copy(table_hbm.at[pl.ds(0, L)], buf, sem).wait()

    def acc_token(buf, t, ae, ao, be, bo):
        e0, o0 = plsc.unpack(buf[t, pl.ds(0, 32)],
                             format=plsc.PackFormat.INTERLEAVED)
        e1, o1 = plsc.unpack(buf[t, pl.ds(32, 32)],
                             format=plsc.PackFormat.INTERLEAVED)
        return ae + e0, ao + o0, be + e1, bo + o1

    def reduce_into(buf, b):
        def tok(t, acc):
            ae0, ao0, be0, bo0, ae1, ao1, be1, bo1 = acc
            t0 = t * 5
            ae0, ao0, be0, bo0 = acc_token(buf, t0, ae0, ao0, be0, bo0)
            ae1, ao1, be1, bo1 = acc_token(buf, t0 + 1, ae1, ao1, be1, bo1)
            ae0, ao0, be0, bo0 = acc_token(buf, t0 + 2, ae0, ao0, be0, bo0)
            ae1, ao1, be1, bo1 = acc_token(buf, t0 + 3, ae1, ao1, be1, bo1)
            ae0, ao0, be0, bo0 = acc_token(buf, t0 + 4, ae0, ao0, be0, bo0)
            return (ae0, ao0, be0, bo0, ae1, ao1, be1, bo1)

        z = jnp.zeros((16,), jnp.float32)
        ae0, ao0, be0, bo0, ae1, ao1, be1, bo1 = lax.fori_loop(
            0, L // 5, tok, (z,) * 8)
        s = jnp.float32(INV_L)
        row = jnp.full((16,), b, jnp.int32)
        plsc.store_scatter(stage_v, [row, col_e0], (ae0 + ae1) * s)
        plsc.store_scatter(stage_v, [row, col_o0], (ao0 + ao1) * s)
        plsc.store_scatter(stage_v, [row, col_e1], (be0 + be1) * s, mask=tmask)
        plsc.store_scatter(stage_v, [row, col_o1], (bo0 + bo1) * s, mask=tmask)

    issue(0, rows0_v, sem0)
    issue(1, rows1_v, sem1)
    issue(2, rows2_v, sem2)

    def tri_body(i, carry):
        r = 3 * i
        drain(rows0_v, sem0)
        reduce_into(rows0_v, r)
        issue_if(r + 3, rows0_v, sem0)
        drain(rows1_v, sem1)
        reduce_into(rows1_v, r + 1)
        issue_if(r + 4, rows1_v, sem1)
        drain(rows2_v, sem2)
        reduce_into(rows2_v, r + 2)
        issue_if(r + 5, rows2_v, sem2)
        return carry

    lax.fori_loop(0, RPT // 3, tri_body, 0)
    drain(rows0_v, sem0)
    reduce_into(rows0_v, RPT - 2)
    drain(rows1_v, sem1)
    reduce_into(rows1_v, RPT - 1)
    pltpu.sync_copy(stage_v, out_hbm.at[pl.ds(base, RPT)])


_glove_sc = pl.kernel(
    _glove_sc_body,
    out_type=jax.ShapeDtypeStruct((B, D), jnp.float32),
    mesh=plsc.VectorSubcoreMesh(core_axis_name="c", subcore_axis_name="s"),
    compiler_params=pltpu.CompilerParams(use_tc_tiling_on_sc=False,
                                         needs_layout_passes=False),
    scratch_types=[
        pltpu.VMEM((RPT, L), jnp.int32),
        pltpu.VMEM((L, DPW), jnp.bfloat16),
        pltpu.VMEM((L, DPW), jnp.bfloat16),
        pltpu.VMEM((L, DPW), jnp.bfloat16),
        pltpu.VMEM((RPT, D), jnp.float32),
        pltpu.SemaphoreType.DMA,
        pltpu.SemaphoreType.DMA,
        pltpu.SemaphoreType.DMA,
    ],
)


def kernel(table, indices):
    table_bp = jnp.pad(table.astype(jnp.bfloat16), ((0, 0), (0, DPW - D)))
    idx32 = indices.astype(jnp.int32)
    return _glove_sc(table_bp, idx32)

# --- scband reference (transcript-rebuilt; emitter-appended) ---
"""Pipeline reference for scband-glove-embbeding-6640019440516 (READ-ONLY COPY).

The authoritative reference and input builder live on the scoring server;
editing this copy changes nothing except your own understanding.
"""

import jax, jax.numpy as jnp
import numpy as np

VOCAB = 400000  # GloVe 6B vocabulary size
EMB_DIM = 50    # text_emb_sz in the original module
BATCH = 4096
MAX_WORDS = 350

def setup_inputs(seed: int = 0) -> dict:
    key = jax.random.key(seed)
    k1, k2 = jax.random.split(key)
    # Learned/pretrained GloVe embedding table (stand-in for vocab.GloVe('6B', dim=50))
    table = jax.random.normal(k1, (VOCAB, EMB_DIM), dtype=jnp.float32)
    # Tokenized captions, padded/truncated to max_words (stand-in for tokenizer output)
    indices = jax.random.randint(k2, (BATCH, MAX_WORDS), 0, VOCAB, dtype=jnp.int64)
    return {"table": table, "indices": indices}

def reference(table, indices):
    # Per-token embedding lookup (vocab.get_vecs_by_tokens over the token sequence)
    emb = jnp.take(table, indices, axis=0)            # [B, L, 50]
    # Aggregate word embeddings into a single caption/sentence embedding,
    # as described in the module docstring ('aggregating the word embs').
    sent_emb = jnp.mean(emb, axis=1)                  # [B, 50]
    return sent_emb

if __name__ == "__main__":
    import jax
    _d = setup_inputs()
    print(jax.jit(kernel)(*tuple(_d.values())))

</pallas_src>

<mosaic_0001>
#map = affine_map<(d0, d1) -> (0, 0)>
module attributes {stable_mosaic.version = 14 : i64} {
  func.func @_glove_sc_body(%arg0: i32, %arg1: i32, %arg2: memref<400000x64xbf16, #tpu.memory_space<hbm>>, %arg3: memref<4096x350xi32, #tpu.memory_space<hbm>>, %arg4: memref<4096x50xf32, #tpu.memory_space<hbm>>, %arg5: memref<128x350xi32, #tpu.memory_space<vmem>>, %arg6: memref<350x64xbf16, #tpu.memory_space<vmem>>, %arg7: memref<350x64xbf16, #tpu.memory_space<vmem>>, %arg8: memref<350x64xbf16, #tpu.memory_space<vmem>>, %arg9: memref<128x50xf32, #tpu.memory_space<vmem>>, %arg10: memref<!tpu.dma_semaphore, #tpu.memory_space<semaphore_mem>>, %arg11: memref<!tpu.dma_semaphore, #tpu.memory_space<semaphore_mem>>, %arg12: memref<!tpu.dma_semaphore, #tpu.memory_space<semaphore_mem>>) attributes {dimension_semantics = [#tpu.dimension_semantics<core_parallel>, #tpu.dimension_semantics<subcore_parallel>], iteration_bounds = array<i64: 2, 16>, scalar_prefetch = 0 : i64, scratch_operands = 8 : i64, tpu.core_type = #tpu.core_type<sc_vector_subcore>, window_params = [{transform_indices = #map}, {transform_indices = #map}, {transform_indices = #map}]} {
    %mul3A = arith.constant 2 : i32
    %mul3A_0 = arith.muli %arg1, %mul3A : i32
    %add3A = arith.addi %mul3A_0, %arg0 : i32
    %mul3A_1 = arith.constant 128 : i32
    %mul3A_2 = arith.muli %add3A, %mul3A_1 : i32
    "tpu.region"() ({
      %run_scoped3A = tpu.sem_alloc : memref<!tpu.dma_semaphore, #tpu.memory_space<semaphore_mem>>
      %dma_start3A_182 = arith.constant 0 : i32
      %dma_start3A_183 = tpu.memref_slice %arg3[%mul3A_2, %dma_start3A_182] : memref<4096x350xi32, #tpu.memory_space<hbm>> -> memref<128x350xi32, #tpu.memory_space<hbm>>
      %dma_start3A_184 = arith.constant 0 : i32
      %dma_start3A_185 = tpu.memref_slice %arg3[%mul3A_2, %dma_start3A_184] : memref<4096x350xi32, #tpu.memory_space<hbm>> -> memref<128x350xi32, #tpu.memory_space<hbm>>
      tpu.enqueue_dma source(%dma_start3A_185 : memref<128x350xi32, #tpu.memory_space<hbm>>) target(%arg5 : memref<128x350xi32, #tpu.memory_space<vmem>>) target_semaphore(%run_scoped3A : memref<!tpu.dma_semaphore, #tpu.memory_space<semaphore_mem>>)
      %dma_wait3A_186 = arith.constant 0 : i32
      %dma_wait3A_187 = tpu.memref_slice %arg3[%mul3A_2, %dma_wait3A_186] : memref<4096x350xi32, #tpu.memory_space<hbm>> -> memref<128x350xi32, #tpu.memory_space<hbm>>
      %dma_wait3A_188 = arith.constant 0 : i32
      %dma_wait3A_189 = tpu.memref_slice %arg3[%mul3A_2, %dma_wait3A_188] : memref<4096x350xi32, #tpu.memory_space<hbm>> -> memref<128x350xi32, #tpu.memory_space<hbm>>
      tpu.wait_dma2 semaphore(%run_scoped3A : memref<!tpu.dma_semaphore, #tpu.memory_space<semaphore_mem>>) src(%dma_wait3A_189 : memref<128x350xi32, #tpu.memory_space<hbm>>) dst(%arg5 : memref<128x350xi32, #tpu.memory_space<vmem>>)
      tpu.yield
    }) : () -> ()
    %iota3A = tpu.iota {dimensions = array<i32: 0>} : vector<16xi32>
    %mul3A_3 = arith.constant 2 : i32
    %mul3A_4 = vector.broadcast %mul3A_3 : i32 to vector<16xi32>
    %mul3A_5 = arith.muli %mul3A_4, %iota3A : vector<16xi32>
    %mul3A_6 = arith.constant 2 : i32
    %mul3A_7 = vector.broadcast %mul3A_6 : i32 to vector<16xi32>
    %mul3A_8 = arith.muli %mul3A_7, %iota3A : vector<16xi32>
    %add3A_9 = arith.constant 1 : i32
    %add3A_10 = vector.broadcast %add3A_9 : i32 to vector<16xi32>
    %add3A_11 = arith.addi %mul3A_8, %add3A_10 : vector<16xi32>
    %mul3A_12 = arith.constant 2 : i32
    %mul3A_13 = vector.broadcast %mul3A_12 : i32 to vector<16xi32>
    %mul3A_14 = arith.muli %mul3A_13, %iota3A : vector<16xi32>
    %add3A_15 = arith.constant 32 : i32
    %add3A_16 = vector.broadcast %add3A_15 : i32 to vector<16xi32>
    %add3A_17 = arith.addi %add3A_16, %mul3A_14 : vector<16xi32>
    %mul3A_18 = arith.constant 2 : i32
    %mul3A_19 = vector.broadcast %mul3A_18 : i32 to vector<16xi32>
    %mul3A_20 = arith.muli %mul3A_19, %iota3A : vector<16xi32>
    %add3A_21 = arith.constant 33 : i32
    %add3A_22 = vector.broadcast %add3A_21 : i32 to vector<16xi32>
    %add3A_23 = arith.addi %add3A_22, %mul3A_20 : vector<16xi32>
    %lt3A = arith.constant 9 : i32
    %lt3A_24 = vector.broadcast %lt3A : i32 to vector<16xi32>
    %lt3A_25 = arith.cmpi slt, %iota3A, %lt3A_24 : vector<16xi32>
    %dma_start3A = arith.constant 0 : i32
    %dma_start3A_26 = arith.constant 0 : i32
    %dma_start3A_27 = arith.constant 0 : i32
    %dma_start3A_28 = tpu.memref_slice %arg6[%dma_start3A_26, %dma_start3A_27] : memref<350x64xbf16, #tpu.memory_space<vmem>> -> memref<128x64xbf16, #tpu.memory_space<vmem>>
    %dma_start3A_29 = arith.constant 0 : i32
    %dma_start3A_30 = tpu.memref_slice %arg5[%dma_start3A, %dma_start3A_29] : memref<128x350xi32, #tpu.memory_space<vmem>> -> memref<1x128xi32, #tpu.memory_space<vmem>>
    %dma_start3A_31 = tpu.memref_squeeze %dma_start3A_30 : memref<1x128xi32, #tpu.memory_space<vmem>> -> memref<128xi32, #tpu.memory_space<vmem>>
    %dma_start3A_32 = arith.constant 0 : i32
    %dma_start3A_33 = arith.constant 0 : i32
    %dma_start3A_34 = tpu.memref_slice %arg2[%dma_start3A_32, %dma_start3A_33] : memref<400000x64xbf16, #tpu.memory_space<hbm>> -> memref<400000x64xbf16, #tpu.memory_space<hbm>>
    tpu.enqueue_indirect_dma source(%dma_start3A_34 : memref<400000x64xbf16, #tpu.memory_space<hbm>>) target(%dma_start3A_28 : memref<128x64xbf16, #tpu.memory_space<vmem>>) offsets(%dma_start3A_31 : memref<128xi32, #tpu.memory_space<vmem>>) semaphore(%arg10 : memref<!tpu.dma_semaphore, #tpu.memory_space<semaphore_mem>>)
    %dma_start3A_35 = arith.constant 0 : i32
    %dma_start3A_36 = arith.constant 128 : i32
    %dma_start3A_37 = arith.constant 0 : i32
    %dma_start3A_38 = tpu.memref_slice %arg6[%dma_start3A_36, %dma_start3A_37] : memref<350x64xbf16, #tpu.memory_space<vmem>> -> memref<128x64xbf16, #tpu.memory_space<vmem>>
    %dma_start3A_39 = arith.constant 128 : i32
    %dma_start3A_40 = tpu.memref_slice %arg5[%dma_start3A_35, %dma_start3A_39] : memref<128x350xi32, #tpu.memory_space<vmem>> -> memref<1x128xi32, #tpu.memory_space<vmem>>
    %dma_start3A_41 = tpu.memref_squeeze %dma_start3A_40 : memref<1x128xi32, #tpu.memory_space<vmem>> -> memref<128xi32, #tpu.memory_space<vmem>>
    %dma_start3A_42 = arith.constant 0 : i32
    %dma_start3A_43 = arith.constant 0 : i32
    %dma_start3A_44 = tpu.memref_slice %arg2[%dma_start3A_42, %dma_start3A_43] : memref<400000x64xbf16, #tpu.memory_space<hbm>> -> memref<400000x64xbf16, #tpu.memory_space<hbm>>
    tpu.enqueue_indirect_dma source(%dma_start3A_44 : memref<400000x64xbf16, #tpu.memory_space<hbm>>) target(%dma_start3A_38 : memref<128x64xbf16, #tpu.memory_space<vmem>>) offsets(%dma_start3A_41 : memref<128xi32, #tpu.memory_space<vmem>>) semaphore(%arg10 : memref<!tpu.dma_semaphore, #tpu.memory_space<semaphore_mem>>)
    %dma_start3A_45 = arith.constant 0 : i32
    %dma_start3A_46 = arith.constant 256 : i32
    %dma_start3A_47 = arith.constant 0 : i32
    %dma_start3A_48 = tpu.memref_slice %arg6[%dma_start3A_46, %dma_start3A_47] : memref<350x64xbf16, #tpu.memory_space<vmem>> -> memref<94x64xbf16, #tpu.memory_space<vmem>>
    %dma_start3A_49 = arith.constant 256 : i32
    %dma_start3A_50 = tpu.memref_slice %arg5[%dma_start3A_45, %dma_start3A_49] : memref<128x350xi32, #tpu.memory_space<vmem>> -> memref<1x94xi32, #tpu.memory_space<vmem>>
    %dma_start3A_51 = tpu.memref_squeeze %dma_start3A_50 : memref<1x94xi32, #tpu.memory_space<vmem>> -> memref<94xi32, #tpu.memory_space<vmem>>
    %dma_start3A_52 = arith.constant 0 : i32
    %dma_start3A_53 = arith.constant 0 : i32
    %dma_start3A_54 = tpu.memref_slice %arg2[%dma_start3A_52, %dma_start3A_53] : memref<400000x64xbf16, #tpu.memory_space<hbm>> -> memref<400000x64xbf16, #tpu.memory_space<hbm>>
    tpu.enqueue_indirect_dma source(%dma_start3A_54 : memref<400000x64xbf16, #tpu.memory_space<hbm>>) target(%dma_start3A_48 : memref<94x64xbf16, #tpu.memory_space<vmem>>) offsets(%dma_start3A_51 : memref<94xi32, #tpu.memory_space<vmem>>) semaphore(%arg10 : memref<!tpu.dma_semaphore, #tpu.memory_space<semaphore_mem>>)
    %dma_start3A_55 = arith.constant 1 : i32
    %dma_start3A_56 = arith.constant 0 : i32
    %dma_start3A_57 = arith.constant 0 : i32
    %dma_start3A_58 = tpu.memref_slice %arg7[%dma_start3A_56, %dma_start3A_57] : memref<350x64xbf16, #tpu.memory_space<vmem>> -> memref<128x64xbf16, #tpu.memory_space<vmem>>
    %dma_start3A_59 = arith.constant 0 : i32
    %dma_start3A_60 = tpu.memref_slice %arg5[%dma_start3A_55, %dma_start3A_59] : memref<128x350xi32, #tpu.memory_space<vmem>> -> memref<1x128xi32, #tpu.memory_space<vmem>>
    %dma_start3A_61 = tpu.memref_squeeze %dma_start3A_60 : memref<1x128xi32, #tpu.memory_space<vmem>> -> memref<128xi32, #tpu.memory_space<vmem>>
    %dma_start3A_62 = arith.constant 0 : i32
    %dma_start3A_63 = arith.constant 0 : i32
    %dma_start3A_64 = tpu.memref_slice %arg2[%dma_start3A_62, %dma_start3A_63] : memref<400000x64xbf16, #tpu.memory_space<hbm>> -> memref<400000x64xbf16, #tpu.memory_space<hbm>>
    tpu.enqueue_indirect_dma source(%dma_start3A_64 : memref<400000x64xbf16, #tpu.memory_space<hbm>>) target(%dma_start3A_58 : memref<128x64xbf16, #tpu.memory_space<vmem>>) offsets(%dma_start3A_61 : memref<128xi32, #tpu.memory_space<vmem>>) semaphore(%arg11 : memref<!tpu.dma_semaphore, #tpu.memory_space<semaphore_mem>>)
    %dma_start3A_65 = arith.constant 1 : i32
    %dma_start3A_66 = arith.constant 128 : i32
    %dma_start3A_67 = arith.constant 0 : i32
    %dma_start3A_68 = tpu.memref_slice %arg7[%dma_start3A_66, %dma_start3A_67] : memref<350x64xbf16, #tpu.memory_space<vmem>> -> memref<128x64xbf16, #tpu.memory_space<vmem>>
    %dma_start3A_69 = arith.constant 128 : i32
    %dma_start3A_70 = tpu.memref_slice %arg5[%dma_start3A_65, %dma_start3A_69] : memref<128x350xi32, #tpu.memory_space<vmem>> -> memref<1x128xi32, #tpu.memory_space<vmem>>
    %dma_start3A_71 = tpu.memref_squeeze %dma_start3A_70 : memref<1x128xi32, #tpu.memory_space<vmem>> -> memref<128xi32, #tpu.memory_space<vmem>>
    %dma_start3A_72 = arith.constant 0 : i32
    %dma_start3A_73 = arith.constant 0 : i32
    %dma_start3A_74 = tpu.memref_slice %arg2[%dma_start3A_72, %dma_start3A_73] : memref<400000x64xbf16, #tpu.memory_space<hbm>> -> memref<400000x64xbf16, #tpu.memory_space<hbm>>
    tpu.enqueue_indirect_dma source(%dma_start3A_74 : memref<400000x64xbf16, #tpu.memory_space<hbm>>) target(%dma_start3A_68 : memref<128x64xbf16, #tpu.memory_space<vmem>>) offsets(%dma_start3A_71 : memref<128xi32, #tpu.memory_space<vmem>>) semaphore(%arg11 : memref<!tpu.dma_semaphore, #tpu.memory_space<semaphore_mem>>)
    %dma_start3A_75 = arith.constant 1 : i32
    %dma_start3A_76 = arith.constant 256 : i32
    %dma_start3A_77 = arith.constant 0 : i32
    %dma_start3A_78 = tpu.memref_slice %arg7[%dma_start3A_76, %dma_start3A_77] : memref<350x64xbf16, #tpu.memory_space<vmem>> -> memref<94x64xbf16, #tpu.memory_space<vmem>>
    %dma_start3A_79 = arith.constant 256 : i32
    %dma_start3A_80 = tpu.memref_slice %arg5[%dma_start3A_75, %dma_start3A_79] : memref<128x350xi32, #tpu.memory_space<vmem>> -> memref<1x94xi32, #tpu.memory_space<vmem>>
    %dma_start3A_81 = tpu.memref_squeeze %dma_start3A_80 : memref<1x94xi32, #tpu.memory_space<vmem>> -> memref<94xi32, #tpu.memory_space<vmem>>
    %dma_start3A_82 = arith.constant 0 : i32
    %dma_start3A_83 = arith.constant 0 : i32
    %dma_start3A_84 = tpu.memref_slice %arg2[%dma_start3A_82, %dma_start3A_83] : memref<400000x64xbf16, #tpu.memory_space<hbm>> -> memref<400000x64xbf16, #tpu.memory_space<hbm>>
    tpu.enqueue_indirect_dma source(%dma_start3A_84 : memref<400000x64xbf16, #tpu.memory_space<hbm>>) target(%dma_start3A_78 : memref<94x64xbf16, #tpu.memory_space<vmem>>) offsets(%dma_start3A_81 : memref<94xi32, #tpu.memory_space<vmem>>) semaphore(%arg11 : memref<!tpu.dma_semaphore, #tpu.memory_space<semaphore_mem>>)
    %dma_start3A_85 = arith.constant 2 : i32
    %dma_start3A_86 = arith.constant 0 : i32
    %dma_start3A_87 = arith.constant 0 : i32
    %dma_start3A_88 = tpu.memref_slice %arg8[%dma_start3A_86, %dma_start3A_87] : memref<350x64xbf16, #tpu.memory_space<vmem>> -> memref<128x64xbf16, #tpu.memory_space<vmem>>
    %dma_start3A_89 = arith.constant 0 : i32
    %dma_start3A_90 = tpu.memref_slice %arg5[%dma_start3A_85, %dma_start3A_89] : memref<128x350xi32, #tpu.memory_space<vmem>> -> memref<1x128xi32, #tpu.memory_space<vmem>>
    %dma_start3A_91 = tpu.memref_squeeze %dma_start3A_90 : memref<1x128xi32, #tpu.memory_space<vmem>> -> memref<128xi32, #tpu.memory_space<vmem>>
    %dma_start3A_92 = arith.constant 0 : i32
    %dma_start3A_93 = arith.constant 0 : i32
    %dma_start3A_94 = tpu.memref_slice %arg2[%dma_start3A_92, %dma_start3A_93] : memref<400000x64xbf16, #tpu.memory_space<hbm>> -> memref<400000x64xbf16, #tpu.memory_space<hbm>>
    tpu.enqueue_indirect_dma source(%dma_start3A_94 : memref<400000x64xbf16, #tpu.memory_space<hbm>>) target(%dma_start3A_88 : memref<128x64xbf16, #tpu.memory_space<vmem>>) offsets(%dma_start3A_91 : memref<128xi32, #tpu.memory_space<vmem>>) semaphore(%arg12 : memref<!tpu.dma_semaphore, #tpu.memory_space<semaphore_mem>>)
    %dma_start3A_95 = arith.constant 2 : i32
    %dma_start3A_96 = arith.constant 128 : i32
    %dma_start3A_97 = arith.constant 0 : i32
    %dma_start3A_98 = tpu.memref_slice %arg8[%dma_start3A_96, %dma_start3A_97] : memref<350x64xbf16, #tpu.memory_space<vmem>> -> memref<128x64xbf16, #tpu.memory_space<vmem>>
    %dma_start3A_99 = arith.constant 128 : i32
    %dma_start3A_100 = tpu.memref_slice %arg5[%dma_start3A_95, %dma_start3A_99] : memref<128x350xi32, #tpu.memory_space<vmem>> -> memref<1x128xi32, #tpu.memory_space<vmem>>
    %dma_start3A_101 = tpu.memref_squeeze %dma_start3A_100 : memref<1x128xi32, #tpu.memory_space<vmem>> -> memref<128xi32, #tpu.memory_space<vmem>>
    %dma_start3A_102 = arith.constant 0 : i32
    %dma_start3A_103 = arith.constant 0 : i32
    %dma_start3A_104 = tpu.memref_slice %arg2[%dma_start3A_102, %dma_start3A_103] : memref<400000x64xbf16, #tpu.memory_space<hbm>> -> memref<400000x64xbf16, #tpu.memory_space<hbm>>
    tpu.enqueue_indirect_dma source(%dma_start3A_104 : memref<400000x64xbf16, #tpu.memory_space<hbm>>) target(%dma_start3A_98 : memref<128x64xbf16, #tpu.memory_space<vmem>>) offsets(%dma_start3A_101 : memref<128xi32, #tpu.memory_space<vmem>>) semaphore(%arg12 : memref<!tpu.dma_semaphore, #tpu.memory_space<semaphore_mem>>)
    %dma_start3A_105 = arith.constant 2 : i32
    %dma_start3A_106 = arith.constant 256 : i32
    %dma_start3A_107 = arith.constant 0 : i32
    %dma_start3A_108 = tpu.memref_slice %arg8[%dma_start3A_106, %dma_start3A_107] : memref<350x64xbf16, #tpu.memory_space<vmem>> -> memref<94x64xbf16, #tpu.memory_space<vmem>>
    %dma_start3A_109 = arith.constant 256 : i32
    %dma_start3A_110 = tpu.memref_slice %arg5[%dma_start3A_105, %dma_start3A_109] : memref<128x350xi32, #tpu.memory_space<vmem>> -> memref<1x94xi32, #tpu.memory_space<vmem>>
    %dma_start3A_111 = tpu.memref_squeeze %dma_start3A_110 : memref<1x94xi32, #tpu.memory_space<vmem>> -> memref<94xi32, #tpu.memory_space<vmem>>
    %dma_start3A_112 = arith.constant 0 : i32
    %dma_start3A_113 = arith.constant 0 : i32
    %dma_start3A_114 = tpu.memref_slice %arg2[%dma_start3A_112, %dma_start3A_113] : memref<400000x64xbf16, #tpu.memory_space<hbm>> -> memref<400000x64xbf16, #tpu.memory_space<hbm>>
    tpu.enqueue_indirect_dma source(%dma_start3A_114 : memref<400000x64xbf16, #tpu.memory_space<hbm>>) target(%dma_start3A_108 : memref<94x64xbf16, #tpu.memory_space<vmem>>) offsets(%dma_start3A_111 : memref<94xi32, #tpu.memory_space<vmem>>) semaphore(%arg12 : memref<!tpu.dma_semaphore, #tpu.memory_space<semaphore_mem>>)
    %scan3A = arith.constant 0 : i32
    %scan3A_115 = arith.constant 0 : i32
    %scan3A_116 = arith.constant 42 : i32
    %scan3A_117 = arith.addi %scan3A_115, %scan3A_116 : i32
    %scan3A_118 = arith.constant 1 : i32
    scf.for %scan3A_182 = %scan3A_115 to %scan3A_117 step %scan3A_118  : i32 {
      %mul3A_183 = arith.constant 3 : i32
      %mul3A_184 = arith.muli %mul3A_183, %scan3A_182 : i32
      %dma_wait3A_185 = arith.constant 0 : i32
      %dma_wait3A_186 = arith.constant 0 : i32
      %dma_wait3A_187 = tpu.memref_slice %arg2[%dma_wait3A_185, %dma_wait3A_186] : memref<400000x64xbf16, #tpu.memory_space<hbm>> -> memref<350x64xbf16, #tpu.memory_space<hbm>>
      %dma_wait3A_188 = arith.constant 0 : i32
      %dma_wait3A_189 = arith.constant 0 : i32
      %dma_wait3A_190 = tpu.memref_slice %arg2[%dma_wait3A_188, %dma_wait3A_189] : memref<400000x64xbf16, #tpu.memory_space<hbm>> -> memref<350x64xbf16, #tpu.memory_space<hbm>>
      tpu.wait_dma2 semaphore(%arg10 : memref<!tpu.dma_semaphore, #tpu.memory_space<semaphore_mem>>) src(%dma_wait3A_190 : memref<350x64xbf16, #tpu.memory_space<hbm>>) dst(%arg6 : memref<350x64xbf16, #tpu.memory_space<vmem>>)
      %broadcast_in_dim3A_191 = arith.constant 0.000000e+00 : f32
      %broadcast_in_dim3A_192 = vector.broadcast %broadcast_in_dim3A_191 : f32 to vector<16xf32>
      %scan3A_193 = arith.constant 0 : i32
      %scan3A_194 = arith.constant 70 : i32
      %scan3A_195 = arith.addi %scan3A_193, %scan3A_194 : i32
      %scan3A_196 = arith.constant 1 : i32
      %scan3A_197:8 = scf.for %scan3A_301 = %scan3A_193 to %scan3A_195 step %scan3A_196 iter_args(%scan3A_302 = %broadcast_in_dim3A_192, %scan3A_303 = %broadcast_in_dim3A_192, %scan3A_304 = %broadcast_in_dim3A_192, %scan3A_305 = %broadcast_in_dim3A_192, %scan3A_306 = %broadcast_in_dim3A_192, %scan3A_307 = %broadcast_in_dim3A_192, %scan3A_308 = %broadcast_in_dim3A_192, %scan3A_309 = %broadcast_in_dim3A_192) -> (vector<16xf32>, vector<16xf32>, vector<16xf32>, vector<16xf32>, vector<16xf32>, vector<16xf32>, vector<16xf32>, vector<16xf32>)  : i32 {
        %mul3A_310 = arith.constant 5 : i32
        %mul3A_311 = arith.muli %scan3A_301, %mul3A_310 : i32
        %get3A = arith.index_cast %mul3A_311 : i32 to index
        %get3A_312 = arith.constant 0 : index
        %get3A_313 = tpu.vector_load %arg6[%get3A, %get3A_312] {strides = array<i32>} : memref<350x64xbf16, #tpu.memory_space<vmem>>, vector<32xbf16>,
        %unpack3A = tpu.unpack_subelements %get3A_313, 0 {pack_format = #tpu.pack_format<interleaved>} : vector<32xbf16> -> vector<16xf32>
        %unpack3A_314 = tpu.unpack_subelements %get3A_313, 1 {pack_format = #tpu.pack_format<interleaved>} : vector<32xbf16> -> vector<16xf32>
        %get3A_315 = arith.index_cast %mul3A_311 : i32 to index
        %get3A_316 = arith.constant 32 : index
        %get3A_317 = tpu.vector_load %arg6[%get3A_315, %get3A_316] {strides = array<i32>} : memref<350x64xbf16, #tpu.memory_space<vmem>>, vector<32xbf16>,
        %unpack3A_318 = tpu.unpack_subelements %get3A_317, 0 {pack_format = #tpu.pack_format<interleaved>} : vector<32xbf16> -> vector<16xf32>
        %unpack3A_319 = tpu.unpack_subelements %get3A_317, 1 {pack_format = #tpu.pack_format<interleaved>} : vector<32xbf16> -> vector<16xf32>
        %add3A_320 = arith.addf %scan3A_302, %unpack3A : vector<16xf32>
        %add3A_321 = arith.addf %scan3A_303, %unpack3A_314 : vector<16xf32>
        %add3A_322 = arith.addf %scan3A_304, %unpack3A_318 : vector<16xf32>
        %add3A_323 = arith.addf %scan3A_305, %unpack3A_319 : vector<16xf32>
        %add3A_324 = arith.constant 1 : i32
        %add3A_325 = arith.addi %mul3A_311, %add3A_324 : i32
        %get3A_326 = arith.index_cast %add3A_325 : i32 to index
        %get3A_327 = arith.constant 0 : index
        %get3A_328 = tpu.vector_load %arg6[%get3A_326, %get3A_327] {strides = array<i32>} : memref<350x64xbf16, #tpu.memory_space<vmem>>, vector<32xbf16>,
        %unpack3A_329 = tpu.unpack_subelements %get3A_328, 0 {pack_format = #tpu.pack_format<interleaved>} : vector<32xbf16> -> vector<16xf32>
        %unpack3A_330 = tpu.unpack_subelements %get3A_328, 1 {pack_format = #tpu.pack_format<interleaved>} : vector<32xbf16> -> vector<16xf32>
        %get3A_331 = arith.index_cast %add3A_325 : i32 to index
        %get3A_332 = arith.constant 32 : index
        %get3A_333 = tpu.vector_load %arg6[%get3A_331, %get3A_332] {strides = array<i32>} : memref<350x64xbf16, #tpu.memory_space<vmem>>, vector<32xbf16>,
        %unpack3A_334 = tpu.unpack_subelements %get3A_333, 0 {pack_format = #tpu.pack_format<interleaved>} : vector<32xbf16> -> vector<16xf32>
        %unpack3A_335 = tpu.unpack_subelements %get3A_333, 1 {pack_format = #tpu.pack_format<interleaved>} : vector<32xbf16> -> vector<16xf32>
        %add3A_336 = arith.addf %scan3A_306, %unpack3A_329 : vector<16xf32>
        %add3A_337 = arith.addf %scan3A_307, %unpack3A_330 : vector<16xf32>
        %add3A_338 = arith.addf %scan3A_308, %unpack3A_334 : vector<16xf32>
        %add3A_339 = arith.addf %scan3A_309, %unpack3A_335 : vector<16xf32>
        %add3A_340 = arith.constant 2 : i32
        %add3A_341 = arith.addi %mul3A_311, %add3A_340 : i32
        %get3A_342 = arith.index_cast %add3A_341 : i32 to index
        %get3A_343 = arith.constant 0 : index
        %get3A_344 = tpu.vector_load %arg6[%get3A_342, %get3A_343] {strides = array<i32>} : memref<350x64xbf16, #tpu.memory_space<vmem>>, vector<32xbf16>,
        %unpack3A_345 = tpu.unpack_subelements %get3A_344, 0 {pack_format = #tpu.pack_format<interleaved>} : vector<32xbf16> -> vector<16xf32>
        %unpack3A_346 = tpu.unpack_subelements %get3A_344, 1 {pack_format = #tpu.pack_format<interleaved>} : vector<32xbf16> -> vector<16xf32>
        %get3A_347 = arith.index_cast %add3A_341 : i32 to index
        %get3A_348 = arith.constant 32 : index
        %get3A_349 = tpu.vector_load %arg6[%get3A_347, %get3A_348] {strides = array<i32>} : memref<350x64xbf16, #tpu.memory_space<vmem>>, vector<32xbf16>,
        %unpack3A_350 = tpu.unpack_subelements %get3A_349, 0 {pack_format = #tpu.pack_format<interleaved>} : vector<32xbf16> -> vector<16xf32>
        %unpack3A_351 = tpu.unpack_subelements %get3A_349, 1 {pack_format = #tpu.pack_format<interleaved>} : vector<32xbf16> -> vector<16xf32>
        %add3A_352 = arith.addf %add3A_320, %unpack3A_345 : vector<16xf32>
        %add3A_353 = arith.addf %add3A_321, %unpack3A_346 : vector<16xf32>
        %add3A_354 = arith.addf %add3A_322, %unpack3A_350 : vector<16xf32>
        %add3A_355 = arith.addf %add3A_323, %unpack3A_351 : vector<16xf32>
        %add3A_356 = arith.constant 3 : i32
        %add3A_357 = arith.addi %mul3A_311, %add3A_356 : i32
        %get3A_358 = arith.index_cast %add3A_357 : i32 to index
        %get3A_359 = arith.constant 0 : index
        %get3A_360 = tpu.vector_load %arg6[%get3A_358, %get3A_359] {strides = array<i32>} : memref<350x64xbf16, #tpu.memory_space<vmem>>, vector<32xbf16>,
        %unpack3A_361 = tpu.unpack_subelements %get3A_360, 0 {pack_format = #tpu.pack_format<interleaved>} : vector<32xbf16> -> vector<16xf32>
        %unpack3A_362 = tpu.unpack_subelements %get3A_360, 1 {pack_format = #tpu.pack_format<interleaved>} : vector<32xbf16> -> vector<16xf32>
        %get3A_363 = arith.index_cast %add3A_357 : i32 to index
        %get3A_364 = arith.constant 32 : index
        %get3A_365 = tpu.vector_load %arg6[%get3A_363, %get3A_364] {strides = array<i32>} : memref<350x64xbf16, #tpu.memory_space<vmem>>, vector<32xbf16>,
        %unpack3A_366 = tpu.unpack_subelements %get3A_365, 0 {pack_format = #tpu.pack_format<interleaved>} : vector<32xbf16> -> vector<16xf32>
        %unpack3A_367 = tpu.unpack_subelements %get3A_365, 1 {pack_format = #tpu.pack_format<interleaved>} : vector<32xbf16> -> vector<16xf32>
        %add3A_368 = arith.addf %add3A_336, %unpack3A_361 : vector<16xf32>
        %add3A_369 = arith.addf %add3A_337, %unpack3A_362 : vector<16xf32>
        %add3A_370 = arith.addf %add3A_338, %unpack3A_366 : vector<16xf32>
        %add3A_371 = arith.addf %add3A_339, %unpack3A_367 : vector<16xf32>
        %add3A_372 = arith.constant 4 : i32
        %add3A_373 = arith.addi %mul3A_311, %add3A_372 : i32
        %get3A_374 = arith.index_cast %add3A_373 : i32 to index
        %get3A_375 = arith.constant 0 : index
        %get3A_376 = tpu.vector_load %arg6[%get3A_374, %get3A_375] {strides = array<i32>} : memref<350x64xbf16, #tpu.memory_space<vmem>>, vector<32xbf16>,
        %unpack3A_377 = tpu.unpack_subelements %get3A_376, 0 {pack_format = #tpu.pack_format<interleaved>} : vector<32xbf16> -> vector<16xf32>
        %unpack3A_378 = tpu.unpack_subelements %get3A_376, 1 {pack_format = #tpu.pack_format<interleaved>} : vector<32xbf16> -> vector<16xf32>
        %get3A_379 = arith.index_cast %add3A_373 : i32 to index
        %get3A_380 = arith.constant 32 : index
        %get3A_381 = tpu.vector_load %arg6[%get3A_379, %get3A_380] {strides = array<i32>} : memref<350x64xbf16, #tpu.memory_space<vmem>>, vector<32xbf16>,
        %unpack3A_382 = tpu.unpack_subelements %get3A_381, 0 {pack_format = #tpu.pack_format<interleaved>} : vector<32xbf16> -> vector<16xf32>
        %unpack3A_383 = tpu.unpack_subelements %get3A_381, 1 {pack_format = #tpu.pack_format<interleaved>} : vector<32xbf16> -> vector<16xf32>
        %add3A_384 = arith.addf %add3A_352, %unpack3A_377 : vector<16xf32>
        %add3A_385 = arith.addf %add3A_353, %unpack3A_378 : vector<16xf32>
        %add3A_386 = arith.addf %add3A_354, %unpack3A_382 : vector<16xf32>
        %add3A_387 = arith.addf %add3A_355, %unpack3A_383 : vector<16xf32>
        scf.yield %add3A_384, %add3A_385, %add3A_386, %add3A_387, %add3A_368, %add3A_369, %add3A_370, %add3A_371 : vector<16xf32>, vector<16xf32>, vector<16xf32>, vector<16xf32>, vector<16xf32>, vector<16xf32>, vector<16xf32>, vector<16xf32>
      }
      %scan3A_198 = arith.constant 70 : i32
      %broadcast_in_dim3A_199 = vector.broadcast %mul3A_184 : i32 to vector<16xi32>
      %add3A_200 = arith.addf %scan3A_197#0, %scan3A_197#4 : vector<16xf32>
      %mul3A_201 = arith.constant 0.00285714283 : f32
      %mul3A_202 = vector.broadcast %mul3A_201 : f32 to vector<16xf32>
      %mul3A_203 = arith.mulf %add3A_200, %mul3A_202 : vector<16xf32>
      tpu.vector_store_idx %arg9[%broadcast_in_dim3A_199, %mul3A_5], %mul3A_203 : memref<128x50xf32, #tpu.memory_space<vmem>>[vector<16xi32>, vector<16xi32>], vector<16xf32>,
      %add3A_204 = arith.addf %scan3A_197#1, %scan3A_197#5 : vector<16xf32>
      %mul3A_205 = arith.constant 0.00285714283 : f32
      %mul3A_206 = vector.broadcast %mul3A_205 : f32 to vector<16xf32>
      %mul3A_207 = arith.mulf %add3A_204, %mul3A_206 : vector<16xf32>
      tpu.vector_store_idx %arg9[%broadcast_in_dim3A_199, %add3A_11], %mul3A_207 : memref<128x50xf32, #tpu.memory_space<vmem>>[vector<16xi32>, vector<16xi32>], vector<16xf32>,
      %add3A_208 = arith.addf %scan3A_197#2, %scan3A_197#6 : vector<16xf32>
      %mul3A_209 = arith.constant 0.00285714283 : f32
      %mul3A_210 = vector.broadcast %mul3A_209 : f32 to vector<16xf32>
      %mul3A_211 = arith.mulf %add3A_208, %mul3A_210 : vector<16xf32>
      tpu.vector_store_idx %arg9[%broadcast_in_dim3A_199, %add3A_17], %mul3A_211 masked %lt3A_25 : memref<128x50xf32, #tpu.memory_space<vmem>>[vector<16xi32>, vector<16xi32>], vector<16xf32>, vector<16xi1>
      %add3A_212 = arith.addf %scan3A_197#3, %scan3A_197#7 : vector<16xf32>
      %mul3A_213 = arith.constant 0.00285714283 : f32
      %mul3A_214 = vector.broadcast %mul3A_213 : f32 to vector<16xf32>
      %mul3A_215 = arith.mulf %add3A_212, %mul3A_214 : vector<16xf32>
      tpu.vector_store_idx %arg9[%broadcast_in_dim3A_199, %add3A_23], %mul3A_215 masked %lt3A_25 : memref<128x50xf32, #tpu.memory_space<vmem>>[vector<16xi32>, vector<16xi32>], vector<16xf32>, vector<16xi1>
      %add3A_216 = arith.constant 3 : i32
      %add3A_217 = arith.addi %mul3A_184, %add3A_216 : i32
      %lt3A_218 = arith.constant 128 : i32
      %lt3A_219 = arith.cmpi slt, %add3A_217, %lt3A_218 : i32
      %convert_element_type3A = arith.extui %lt3A_219 : i1 to i32
      %cond3A = arith.constant 0 : i32
      %cond3A_220 = arith.cmpi ne, %convert_element_type3A, %cond3A : i32
      scf.if %cond3A_220 {
        %dma_start3A_301 = arith.constant 0 : i32
        %dma_start3A_302 = arith.constant 0 : i32
        %dma_start3A_303 = tpu.memref_slice %arg6[%dma_start3A_301, %dma_start3A_302] : memref<350x64xbf16, #tpu.memory_space<vmem>> -> memref<128x64xbf16, #tpu.memory_space<vmem>>
        %dma_start3A_304 = arith.constant 0 : i32
        %dma_start3A_305 = tpu.memref_slice %arg5[%add3A_217, %dma_start3A_304] : memref<128x350xi32, #tpu.memory_space<vmem>> -> memref<1x128xi32, #tpu.memory_space<vmem>>
        %dma_start3A_306 = tpu.memref_squeeze %dma_start3A_305 : memref<1x128xi32, #tpu.memory_space<vmem>> -> memref<128xi32, #tpu.memory_space<vmem>>
        %dma_start3A_307 = arith.constant 0 : i32
        %dma_start3A_308 = arith.constant 0 : i32
        %dma_start3A_309 = tpu.memref_slice %arg2[%dma_start3A_307, %dma_start3A_308] : memref<400000x64xbf16, #tpu.memory_space<hbm>> -> memref<400000x64xbf16, #tpu.memory_space<hbm>>
        tpu.enqueue_indirect_dma source(%dma_start3A_309 : memref<400000x64xbf16, #tpu.memory_space<hbm>>) target(%dma_start3A_303 : memref<128x64xbf16, #tpu.memory_space<vmem>>) offsets(%dma_start3A_306 : memref<128xi32, #tpu.memory_space<vmem>>) semaphore(%arg10 : memref<!tpu.dma_semaphore, #tpu.memory_space<semaphore_mem>>)
        %dma_start3A_310 = arith.constant 128 : i32
        %dma_start3A_311 = arith.constant 0 : i32
        %dma_start3A_312 = tpu.memref_slice %arg6[%dma_start3A_310, %dma_start3A_311] : memref<350x64xbf16, #tpu.memory_space<vmem>> -> memref<128x64xbf16, #tpu.memory_space<vmem>>
        %dma_start3A_313 = arith.constant 128 : i32
        %dma_start3A_314 = tpu.memref_slice %arg5[%add3A_217, %dma_start3A_313] : memref<128x350xi32, #tpu.memory_space<vmem>> -> memref<1x128xi32, #tpu.memory_space<vmem>>
        %dma_start3A_315 = tpu.memref_squeeze %dma_start3A_314 : memref<1x128xi32, #tpu.memory_space<vmem>> -> memref<128xi32, #tpu.memory_space<vmem>>
        %dma_start3A_316 = arith.constant 0 : i32
        %dma_start3A_317 = arith.constant 0 : i32
        %dma_start3A_318 = tpu.memref_slice %arg2[%dma_start3A_316, %dma_start3A_317] : memref<400000x64xbf16, #tpu.memory_space<hbm>> -> memref<400000x64xbf16, #tpu.memory_space<hbm>>
        tpu.enqueue_indirect_dma source(%dma_start3A_318 : memref<400000x64xbf16, #tpu.memory_space<hbm>>) target(%dma_start3A_312 : memref<128x64xbf16, #tpu.memory_space<vmem>>) offsets(%dma_start3A_315 : memref<128xi32, #tpu.memory_space<vmem>>) semaphore(%arg10 : memref<!tpu.dma_semaphore, #tpu.memory_space<semaphore_mem>>)
        %dma_start3A_319 = arith.constant 256 : i32
        %dma_start3A_320 = arith.constant 0 : i32
        %dma_start3A_321 = tpu.memref_slice %arg6[%dma_start3A_319, %dma_start3A_320] : memref<350x64xbf16, #tpu.memory_space<vmem>> -> memref<94x64xbf16, #tpu.memory_space<vmem>>
        %dma_start3A_322 = arith.constant 256 : i32
        %dma_start3A_323 = tpu.memref_slice %arg5[%add3A_217, %dma_start3A_322] : memref<128x350xi32, #tpu.memory_space<vmem>> -> memref<1x94xi32, #tpu.memory_space<vmem>>
        %dma_start3A_324 = tpu.memref_squeeze %dma_start3A_323 : memref<1x94xi32, #tpu.memory_space<vmem>> -> memref<94xi32, #tpu.memory_space<vmem>>
        %dma_start3A_325 = arith.constant 0 : i32
        %dma_start3A_326 = arith.constant 0 : i32
        %dma_start3A_327 = tpu.memref_slice %arg2[%dma_start3A_325, %dma_start3A_326] : memref<400000x64xbf16, #tpu.memory_space<hbm>> -> memref<400000x64xbf16, #tpu.memory_space<hbm>>
        tpu.enqueue_indirect_dma source(%dma_start3A_327 : memref<400000x64xbf16, #tpu.memory_space<hbm>>) target(%dma_start3A_321 : memref<94x64xbf16, #tpu.memory_space<vmem>>) offsets(%dma_start3A_324 : memref<94xi32, #tpu.memory_space<vmem>>) semaphore(%arg10 : memref<!tpu.dma_semaphore, #tpu.memory_space<semaphore_mem>>)
      } else {
      }
      %dma_wait3A_221 = arith.constant 0 : i32
      %dma_wait3A_222 = arith.constant 0 : i32
      %dma_wait3A_223 = tpu.memref_slice %arg2[%dma_wait3A_221, %dma_wait3A_222] : memref<400000x64xbf16, #tpu.memory_space<hbm>> -> memref<350x64xbf16, #tpu.memory_space<hbm>>
      %dma_wait3A_224 = arith.constant 0 : i32
      %dma_wait3A_225 = arith.constant 0 : i32
      %dma_wait3A_226 = tpu.memref_slice %arg2[%dma_wait3A_224, %dma_wait3A_225] : memref<400000x64xbf16, #tpu.memory_space<hbm>> -> memref<350x64xbf16, #tpu.memory_space<hbm>>
      tpu.wait_dma2 semaphore(%arg11 : memref<!tpu.dma_semaphore, #tpu.memory_space<semaphore_mem>>) src(%dma_wait3A_226 : memref<350x64xbf16, #tpu.memory_space<hbm>>) dst(%arg7 : memref<350x64xbf16, #tpu.memory_space<vmem>>)
      %add3A_227 = arith.constant 1 : i32
      %add3A_228 = arith.addi %mul3A_184, %add3A_227 : i32
      %broadcast_in_dim3A_229 = arith.constant 0.000000e+00 : f32
      %broadcast_in_dim3A_230 = vector.broadcast %broadcast_in_dim3A_229 : f32 to vector<16xf32>
      %scan3A_231 = arith.constant 0 : i32
      %scan3A_232 = arith.constant 70 : i32
      %scan3A_233 = arith.addi %scan3A_231, %scan3A_232 : i32
      %scan3A_234 = arith.constant 1 : i32
      %scan3A_235:8 = scf.for %scan3A_301 = %scan3A_231 to %scan3A_233 step %scan3A_234 iter_args(%scan3A_302 = %broadcast_in_dim3A_230, %scan3A_303 = %broadcast_in_dim3A_230, %scan3A_304 = %broadcast_in_dim3A_230, %scan3A_305 = %broadcast_in_dim3A_230, %scan3A_306 = %broadcast_in_dim3A_230, %scan3A_307 = %broadcast_in_dim3A_230, %scan3A_308 = %broadcast_in_dim3A_230, %scan3A_309 = %broadcast_in_dim3A_230) -> (vector<16xf32>, vector<16xf32>, vector<16xf32>, vector<16xf32>, vector<16xf32>, vector<16xf32>, vector<16xf32>, vector<16xf32>)  : i32 {
        %mul3A_310 = arith.constant 5 : i32
        %mul3A_311 = arith.muli %scan3A_301, %mul3A_310 : i32
        %get3A = arith.index_cast %mul3A_311 : i32 to index
        %get3A_312 = arith.constant 0 : index
        %get3A_313 = tpu.vector_load %arg7[%get3A, %get3A_312] {strides = array<i32>} : memref<350x64xbf16, #tpu.memory_space<vmem>>, vector<32xbf16>,
        %unpack3A = tpu.unpack_subelements %get3A_313, 0 {pack_format = #tpu.pack_format<interleaved>} : vector<32xbf16> -> vector<16xf32>
        %unpack3A_314 = tpu.unpack_subelements %get3A_313, 1 {pack_format = #tpu.pack_format<interleaved>} : vector<32xbf16> -> vector<16xf32>
        %get3A_315 = arith.index_cast %mul3A_311 : i32 to index
        %get3A_316 = arith.constant 32 : index
        %get3A_317 = tpu.vector_load %arg7[%get3A_315, %get3A_316] {strides = array<i32>} : memref<350x64xbf16, #tpu.memory_space<vmem>>, vector<32xbf16>,
        %unpack3A_318 = tpu.unpack_subelements %get3A_317, 0 {pack_format = #tpu.pack_format<interleaved>} : vector<32xbf16> -> vector<16xf32>
        %unpack3A_319 = tpu.unpack_subelements %get3A_317, 1 {pack_format = #tpu.pack_format<interleaved>} : vector<32xbf16> -> vector<16xf32>
        %add3A_320 = arith.addf %scan3A_302, %unpack3A : vector<16xf32>
        %add3A_321 = arith.addf %scan3A_303, %unpack3A_314 : vector<16xf32>
        %add3A_322 = arith.addf %scan3A_304, %unpack3A_318 : vector<16xf32>
        %add3A_323 = arith.addf %scan3A_305, %unpack3A_319 : vector<16xf32>
        %add3A_324 = arith.constant 1 : i32
        %add3A_325 = arith.addi %mul3A_311, %add3A_324 : i32
        %get3A_326 = arith.index_cast %add3A_325 : i32 to index
        %get3A_327 = arith.constant 0 : index
        %get3A_328 = tpu.vector_load %arg7[%get3A_326, %get3A_327] {strides = array<i32>} : memref<350x64xbf16, #tpu.memory_space<vmem>>, vector<32xbf16>,
        %unpack3A_329 = tpu.unpack_subelements %get3A_328, 0 {pack_format = #tpu.pack_format<interleaved>} : vector<32xbf16> -> vector<16xf32>
        %unpack3A_330 = tpu.unpack_subelements %get3A_328, 1 {pack_format = #tpu.pack_format<interleaved>} : vector<32xbf16> -> vector<16xf32>
        %get3A_331 = arith.index_cast %add3A_325 : i32 to index
        %get3A_332 = arith.constant 32 : index
        %get3A_333 = tpu.vector_load %arg7[%get3A_331, %get3A_332] {strides = array<i32>} : memref<350x64xbf16, #tpu.memory_space<vmem>>, vector<32xbf16>,
        %unpack3A_334 = tpu.unpack_subelements %get3A_333, 0 {pack_format = #tpu.pack_format<interleaved>} : vector<32xbf16> -> vector<16xf32>
        %unpack3A_335 = tpu.unpack_subelements %get3A_333, 1 {pack_format = #tpu.pack_format<interleaved>} : vector<32xbf16> -> vector<16xf32>
        %add3A_336 = arith.addf %scan3A_306, %unpack3A_329 : vector<16xf32>
        %add3A_337 = arith.addf %scan3A_307, %unpack3A_330 : vector<16xf32>
        %add3A_338 = arith.addf %scan3A_308, %unpack3A_334 : vector<16xf32>
        %add3A_339 = arith.addf %scan3A_309, %unpack3A_335 : vector<16xf32>
        %add3A_340 = arith.constant 2 : i32
        %add3A_341 = arith.addi %mul3A_311, %add3A_340 : i32
        %get3A_342 = arith.index_cast %add3A_341 : i32 to index
        %get3A_343 = arith.constant 0 : index
        %get3A_344 = tpu.vector_load %arg7[%get3A_342, %get3A_343] {strides = array<i32>} : memref<350x64xbf16, #tpu.memory_space<vmem>>, vector<32xbf16>,
        %unpack3A_345 = tpu.unpack_subelements %get3A_344, 0 {pack_format = #tpu.pack_format<interleaved>} : vector<32xbf16> -> vector<16xf32>
        %unpack3A_346 = tpu.unpack_subelements %get3A_344, 1 {pack_format = #tpu.pack_format<interleaved>} : vector<32xbf16> -> vector<16xf32>
        %get3A_347 = arith.index_cast %add3A_341 : i32 to index
        %get3A_348 = arith.constant 32 : index
        %get3A_349 = tpu.vector_load %arg7[%get3A_347, %get3A_348] {strides = array<i32>} : memref<350x64xbf16, #tpu.memory_space<vmem>>, vector<32xbf16>,
        %unpack3A_350 = tpu.unpack_subelements %get3A_349, 0 {pack_format = #tpu.pack_format<interleaved>} : vector<32xbf16> -> vector<16xf32>
        %unpack3A_351 = tpu.unpack_subelements %get3A_349, 1 {pack_format = #tpu.pack_format<interleaved>} : vector<32xbf16> -> vector<16xf32>
        %add3A_352 = arith.addf %add3A_320, %unpack3A_345 : vector<16xf32>
        %add3A_353 = arith.addf %add3A_321, %unpack3A_346 : vector<16xf32>
        %add3A_354 = arith.addf %add3A_322, %unpack3A_350 : vector<16xf32>
        %add3A_355 = arith.addf %add3A_323, %unpack3A_351 : vector<16xf32>
        %add3A_356 = arith.constant 3 : i32
        %add3A_357 = arith.addi %mul3A_311, %add3A_356 : i32
        %get3A_358 = arith.index_cast %add3A_357 : i32 to index
        %get3A_359 = arith.constant 0 : index
        %get3A_360 = tpu.vector_load %arg7[%get3A_358, %get3A_359] {strides = array<i32>} : memref<350x64xbf16, #tpu.memory_space<vmem>>, vector<32xbf16>,
        %unpack3A_361 = tpu.unpack_subelements %get3A_360, 0 {pack_format = #tpu.pack_format<interleaved>} : vector<32xbf16> -> vector<16xf32>
        %unpack3A_362 = tpu.unpack_subelements %get3A_360, 1 {pack_format = #tpu.pack_format<interleaved>} : vector<32xbf16> -> vector<16xf32>
        %get3A_363 = arith.index_cast %add3A_357 : i32 to index
        %get3A_364 = arith.constant 32 : index
        %get3A_365 = tpu.vector_load %arg7[%get3A_363, %get3A_364] {strides = array<i32>} : memref<350x64xbf16, #tpu.memory_space<vmem>>, vector<32xbf16>,
        %unpack3A_366 = tpu.unpack_subelements %get3A_365, 0 {pack_format = #tpu.pack_format<interleaved>} : vector<32xbf16> -> vector<16xf32>
        %unpack3A_367 = tpu.unpack_subelements %get3A_365, 1 {pack_format = #tpu.pack_format<interleaved>} : vector<32xbf16> -> vector<16xf32>
        %add3A_368 = arith.addf %add3A_336, %unpack3A_361 : vector<16xf32>
        %add3A_369 = arith.addf %add3A_337, %unpack3A_362 : vector<16xf32>
        %add3A_370 = arith.addf %add3A_338, %unpack3A_366 : vector<16xf32>
        %add3A_371 = arith.addf %add3A_339, %unpack3A_367 : vector<16xf32>
        %add3A_372 = arith.constant 4 : i32
        %add3A_373 = arith.addi %mul3A_311, %add3A_372 : i32
        %get3A_374 = arith.index_cast %add3A_373 : i32 to index
        %get3A_375 = arith.constant 0 : index
        %get3A_376 = tpu.vector_load %arg7[%get3A_374, %get3A_375] {strides = array<i32>} : memref<350x64xbf16, #tpu.memory_space<vmem>>, vector<32xbf16>,
        %unpack3A_377 = tpu.unpack_subelements %get3A_376, 0 {pack_format = #tpu.pack_format<interleaved>} : vector<32xbf16> -> vector<16xf32>
        %unpack3A_378 = tpu.unpack_subelements %get3A_376, 1 {pack_format = #tpu.pack_format<interleaved>} : vector<32xbf16> -> vector<16xf32>
        %get3A_379 = arith.index_cast %add3A_373 : i32 to index
        %get3A_380 = arith.constant 32 : index
        %get3A_381 = tpu.vector_load %arg7[%get3A_379, %get3A_380] {strides = array<i32>} : memref<350x64xbf16, #tpu.memory_space<vmem>>, vector<32xbf16>,
        %unpack3A_382 = tpu.unpack_subelements %get3A_381, 0 {pack_format = #tpu.pack_format<interleaved>} : vector<32xbf16> -> vector<16xf32>
        %unpack3A_383 = tpu.unpack_subelements %get3A_381, 1 {pack_format = #tpu.pack_format<interleaved>} : vector<32xbf16> -> vector<16xf32>
        %add3A_384 = arith.addf %add3A_352, %unpack3A_377 : vector<16xf32>
        %add3A_385 = arith.addf %add3A_353, %unpack3A_378 : vector<16xf32>
        %add3A_386 = arith.addf %add3A_354, %unpack3A_382 : vector<16xf32>
        %add3A_387 = arith.addf %add3A_355, %unpack3A_383 : vector<16xf32>
        scf.yield %add3A_384, %add3A_385, %add3A_386, %add3A_387, %add3A_368, %add3A_369, %add3A_370, %add3A_371 : vector<16xf32>, vector<16xf32>, vector<16xf32>, vector<16xf32>, vector<16xf32>, vector<16xf32>, vector<16xf32>, vector<16xf32>
      }
      %scan3A_236 = arith.constant 70 : i32
      %broadcast_in_dim3A_237 = vector.broadcast %add3A_228 : i32 to vector<16xi32>
      %add3A_238 = arith.addf %scan3A_235#0, %scan3A_235#4 : vector<16xf32>
      %mul3A_239 = arith.constant 0.00285714283 : f32
      %mul3A_240 = vector.broadcast %mul3A_239 : f32 to vector<16xf32>
      %mul3A_241 = arith.mulf %add3A_238, %mul3A_240 : vector<16xf32>
      tpu.vector_store_idx %arg9[%broadcast_in_dim3A_237, %mul3A_5], %mul3A_241 : memref<128x50xf32, #tpu.memory_space<vmem>>[vector<16xi32>, vector<16xi32>], vector<16xf32>,
      %add3A_242 = arith.addf %scan3A_235#1, %scan3A_235#5 : vector<16xf32>
      %mul3A_243 = arith.constant 0.00285714283 : f32
      %mul3A_244 = vector.broadcast %mul3A_243 : f32 to vector<16xf32>
      %mul3A_245 = arith.mulf %add3A_242, %mul3A_244 : vector<16xf32>
      tpu.vector_store_idx %arg9[%broadcast_in_dim3A_237, %add3A_11], %mul3A_245 : memref<128x50xf32, #tpu.memory_space<vmem>>[vector<16xi32>, vector<16xi32>], vector<16xf32>,
      %add3A_246 = arith.addf %scan3A_235#2, %scan3A_235#6 : vector<16xf32>
      %mul3A_247 = arith.constant 0.00285714283 : f32
      %mul3A_248 = vector.broadcast %mul3A_247 : f32 to vector<16xf32>
      %mul3A_249 = arith.mulf %add3A_246, %mul3A_248 : vector<16xf32>
      tpu.vector_store_idx %arg9[%broadcast_in_dim3A_237, %add3A_17], %mul3A_249 masked %lt3A_25 : memref<128x50xf32, #tpu.memory_space<vmem>>[vector<16xi32>, vector<16xi32>], vector<16xf32>, vector<16xi1>
      %add3A_250 = arith.addf %scan3A_235#3, %scan3A_235#7 : vector<16xf32>
      %mul3A_251 = arith.constant 0.00285714283 : f32
      %mul3A_252 = vector.broadcast %mul3A_251 : f32 to vector<16xf32>
      %mul3A_253 = arith.mulf %add3A_250, %mul3A_252 : vector<16xf32>
      tpu.vector_store_idx %arg9[%broadcast_in_dim3A_237, %add3A_23], %mul3A_253 masked %lt3A_25 : memref<128x50xf32, #tpu.memory_space<vmem>>[vector<16xi32>, vector<16xi32>], vector<16xf32>, vector<16xi1>
      %add3A_254 = arith.constant 4 : i32
      %add3A_255 = arith.addi %mul3A_184, %add3A_254 : i32
      %lt3A_256 = arith.constant 128 : i32
      %lt3A_257 = arith.cmpi slt, %add3A_255, %lt3A_256 : i32
      %convert_element_type3A_258 = arith.extui %lt3A_257 : i1 to i32
      %cond3A_259 = arith.constant 0 : i32
      %cond3A_260 = arith.cmpi ne, %convert_element_type3A_258, %cond3A_259 : i32
      scf.if %cond3A_260 {
        %dma_start3A_301 = arith.constant 0 : i32
        %dma_start3A_302 = arith.constant 0 : i32
        %dma_start3A_303 = tpu.memref_slice %arg7[%dma_start3A_301, %dma_start3A_302] : memref<350x64xbf16, #tpu.memory_space<vmem>> -> memref<128x64xbf16, #tpu.memory_space<vmem>>
        %dma_start3A_304 = arith.constant 0 : i32
        %dma_start3A_305 = tpu.memref_slice %arg5[%add3A_255, %dma_start3A_304] : memref<128x350xi32, #tpu.memory_space<vmem>> -> memref<1x128xi32, #tpu.memory_space<vmem>>
        %dma_start3A_306 = tpu.memref_squeeze %dma_start3A_305 : memref<1x128xi32, #tpu.memory_space<vmem>> -> memref<128xi32, #tpu.memory_space<vmem>>
        %dma_start3A_307 = arith.constant 0 : i32
        %dma_start3A_308 = arith.constant 0 : i32
        %dma_start3A_309 = tpu.memref_slice %arg2[%dma_start3A_307, %dma_start3A_308] : memref<400000x64xbf16, #tpu.memory_space<hbm>> -> memref<400000x64xbf16, #tpu.memory_space<hbm>>
        tpu.enqueue_indirect_dma source(%dma_start3A_309 : memref<400000x64xbf16, #tpu.memory_space<hbm>>) target(%dma_start3A_303 : memref<128x64xbf16, #tpu.memory_space<vmem>>) offsets(%dma_start3A_306 : memref<128xi32, #tpu.memory_space<vmem>>) semaphore(%arg11 : memref<!tpu.dma_semaphore, #tpu.memory_space<semaphore_mem>>)
        %dma_start3A_310 = arith.constant 128 : i32
        %dma_start3A_311 = arith.constant 0 : i32
        %dma_start3A_312 = tpu.memref_slice %arg7[%dma_start3A_310, %dma_start3A_311] : memref<350x64xbf16, #tpu.memory_space<vmem>> -> memref<128x64xbf16, #tpu.memory_space<vmem>>
        %dma_start3A_313 = arith.constant 128 : i32
        %dma_start3A_314 = tpu.memref_slice %arg5[%add3A_255, %dma_start3A_313] : memref<128x350xi32, #tpu.memory_space<vmem>> -> memref<1x128xi32, #tpu.memory_space<vmem>>
        %dma_start3A_315 = tpu.memref_squeeze %dma_start3A_314 : memref<1x128xi32, #tpu.memory_space<vmem>> -> memref<128xi32, #tpu.memory_space<vmem>>
        %dma_start3A_316 = arith.constant 0 : i32
        %dma_start3A_317 = arith.constant 0 : i32
        %dma_start3A_318 = tpu.memref_slice %arg2[%dma_start3A_316, %dma_start3A_317] : memref<400000x64xbf16, #tpu.memory_space<hbm>> -> memref<400000x64xbf16, #tpu.memory_space<hbm>>
        tpu.enqueue_indirect_dma source(%dma_start3A_318 : memref<400000x64xbf16, #tpu.memory_space<hbm>>) target(%dma_start3A_312 : memref<128x64xbf16, #tpu.memory_space<vmem>>) offsets(%dma_start3A_315 : memref<128xi32, #tpu.memory_space<vmem>>) semaphore(%arg11 : memref<!tpu.dma_semaphore, #tpu.memory_space<semaphore_mem>>)
        %dma_start3A_319 = arith.constant 256 : i32
        %dma_start3A_320 = arith.constant 0 : i32
        %dma_start3A_321 = tpu.memref_slice %arg7[%dma_start3A_319, %dma_start3A_320] : memref<350x64xbf16, #tpu.memory_space<vmem>> -> memref<94x64xbf16, #tpu.memory_space<vmem>>
        %dma_start3A_322 = arith.constant 256 : i32
        %dma_start3A_323 = tpu.memref_slice %arg5[%add3A_255, %dma_start3A_322] : memref<128x350xi32, #tpu.memory_space<vmem>> -> memref<1x94xi32, #tpu.memory_space<vmem>>
        %dma_start3A_324 = tpu.memref_squeeze %dma_start3A_323 : memref<1x94xi32, #tpu.memory_space<vmem>> -> memref<94xi32, #tpu.memory_space<vmem>>
        %dma_start3A_325 = arith.constant 0 : i32
        %dma_start3A_326 = arith.constant 0 : i32
        %dma_start3A_327 = tpu.memref_slice %arg2[%dma_start3A_325, %dma_start3A_326] : memref<400000x64xbf16, #tpu.memory_space<hbm>> -> memref<400000x64xbf16, #tpu.memory_space<hbm>>
        tpu.enqueue_indirect_dma source(%dma_start3A_327 : memref<400000x64xbf16, #tpu.memory_space<hbm>>) target(%dma_start3A_321 : memref<94x64xbf16, #tpu.memory_space<vmem>>) offsets(%dma_start3A_324 : memref<94xi32, #tpu.memory_space<vmem>>) semaphore(%arg11 : memref<!tpu.dma_semaphore, #tpu.memory_space<semaphore_mem>>)
      } else {
      }
      %dma_wait3A_261 = arith.constant 0 : i32
      %dma_wait3A_262 = arith.constant 0 : i32
      %dma_wait3A_263 = tpu.memref_slice %arg2[%dma_wait3A_261, %dma_wait3A_262] : memref<400000x64xbf16, #tpu.memory_space<hbm>> -> memref<350x64xbf16, #tpu.memory_space<hbm>>
      %dma_wait3A_264 = arith.constant 0 : i32
      %dma_wait3A_265 = arith.constant 0 : i32
      %dma_wait3A_266 = tpu.memref_slice %arg2[%dma_wait3A_264, %dma_wait3A_265] : memref<400000x64xbf16, #tpu.memory_space<hbm>> -> memref<350x64xbf16, #tpu.memory_space<hbm>>
      tpu.wait_dma2 semaphore(%arg12 : memref<!tpu.dma_semaphore, #tpu.memory_space<semaphore_mem>>) src(%dma_wait3A_266 : memref<350x64xbf16, #tpu.memory_space<hbm>>) dst(%arg8 : memref<350x64xbf16, #tpu.memory_space<vmem>>)
      %add3A_267 = arith.constant 2 : i32
      %add3A_268 = arith.addi %mul3A_184, %add3A_267 : i32
      %broadcast_in_dim3A_269 = arith.constant 0.000000e+00 : f32
      %broadcast_in_dim3A_270 = vector.broadcast %broadcast_in_dim3A_269 : f32 to vector<16xf32>
      %scan3A_271 = arith.constant 0 : i32
      %scan3A_272 = arith.constant 70 : i32
      %scan3A_273 = arith.addi %scan3A_271, %scan3A_272 : i32
      %scan3A_274 = arith.constant 1 : i32
      %scan3A_275:8 = scf.for %scan3A_301 = %scan3A_271 to %scan3A_273 step %scan3A_274 iter_args(%scan3A_302 = %broadcast_in_dim3A_270, %scan3A_303 = %broadcast_in_dim3A_270, %scan3A_304 = %broadcast_in_dim3A_270, %scan3A_305 = %broadcast_in_dim3A_270, %scan3A_306 = %broadcast_in_dim3A_270, %scan3A_307 = %broadcast_in_dim3A_270, %scan3A_308 = %broadcast_in_dim3A_270, %scan3A_309 = %broadcast_in_dim3A_270) -> (vector<16xf32>, vector<16xf32>, vector<16xf32>, vector<16xf32>, vector<16xf32>, vector<16xf32>, vector<16xf32>, vector<16xf32>)  : i32 {
        %mul3A_310 = arith.constant 5 : i32
        %mul3A_311 = arith.muli %scan3A_301, %mul3A_310 : i32
        %get3A = arith.index_cast %mul3A_311 : i32 to index
        %get3A_312 = arith.constant 0 : index
        %get3A_313 = tpu.vector_load %arg8[%get3A, %get3A_312] {strides = array<i32>} : memref<350x64xbf16, #tpu.memory_space<vmem>>, vector<32xbf16>,
        %unpack3A = tpu.unpack_subelements %get3A_313, 0 {pack_format = #tpu.pack_format<interleaved>} : vector<32xbf16> -> vector<16xf32>
        %unpack3A_314 = tpu.unpack_subelements %get3A_313, 1 {pack_format = #tpu.pack_format<interleaved>} : vector<32xbf16> -> vector<16xf32>
        %get3A_315 = arith.index_cast %mul3A_311 : i32 to index
        %get3A_316 = arith.constant 32 : index
        %get3A_317 = tpu.vector_load %arg8[%get3A_315, %get3A_316] {strides = array<i32>} : memref<350x64xbf16, #tpu.memory_space<vmem>>, vector<32xbf16>,
        %unpack3A_318 = tpu.unpack_subelements %get3A_317, 0 {pack_format = #tpu.pack_format<interleaved>} : vector<32xbf16> -> vector<16xf32>
        %unpack3A_319 = tpu.unpack_subelements %get3A_317, 1 {pack_format = #tpu.pack_format<interleaved>} : vector<32xbf16> -> vector<16xf32>
        %add3A_320 = arith.addf %scan3A_302, %unpack3A : vector<16xf32>
        %add3A_321 = arith.addf %scan3A_303, %unpack3A_314 : vector<16xf32>
        %add3A_322 = arith.addf %scan3A_304, %unpack3A_318 : vector<16xf32>
        %add3A_323 = arith.addf %scan3A_305, %unpack3A_319 : vector<16xf32>
        %add3A_324 = arith.constant 1 : i32
        %add3A_325 = arith.addi %mul3A_311, %add3A_324 : i32
        %get3A_326 = arith.index_cast %add3A_325 : i32 to index
        %get3A_327 = arith.constant 0 : index
        %get3A_328 = tpu.vector_load %arg8[%get3A_326, %get3A_327] {strides = array<i32>} : memref<350x64xbf16, #tpu.memory_space<vmem>>, vector<32xbf16>,
        %unpack3A_329 = tpu.unpack_subelements %get3A_328, 0 {pack_format = #tpu.pack_format<interleaved>} : vector<32xbf16> -> vector<16xf32>
        %unpack3A_330 = tpu.unpack_subelements %get3A_328, 1 {pack_format = #tpu.pack_format<interleaved>} : vector<32xbf16> -> vector<16xf32>
        %get3A_331 = arith.index_cast %add3A_325 : i32 to index
        %get3A_332 = arith.constant 32 : index
        %get3A_333 = tpu.vector_load %arg8[%get3A_331, %get3A_332] {strides = array<i32>} : memref<350x64xbf16, #tpu.memory_space<vmem>>, vector<32xbf16>,
        %unpack3A_334 = tpu.unpack_subelements %get3A_333, 0 {pack_format = #tpu.pack_format<interleaved>} : vector<32xbf16> -> vector<16xf32>
        %unpack3A_335 = tpu.unpack_subelements %get3A_333, 1 {pack_format = #tpu.pack_format<interleaved>} : vector<32xbf16> -> vector<16xf32>
        %add3A_336 = arith.addf %scan3A_306, %unpack3A_329 : vector<16xf32>
        %add3A_337 = arith.addf %scan3A_307, %unpack3A_330 : vector<16xf32>
        %add3A_338 = arith.addf %scan3A_308, %unpack3A_334 : vector<16xf32>
        %add3A_339 = arith.addf %scan3A_309, %unpack3A_335 : vector<16xf32>
        %add3A_340 = arith.constant 2 : i32
        %add3A_341 = arith.addi %mul3A_311, %add3A_340 : i32
        %get3A_342 = arith.index_cast %add3A_341 : i32 to index
        %get3A_343 = arith.constant 0 : index
        %get3A_344 = tpu.vector_load %arg8[%get3A_342, %get3A_343] {strides = array<i32>} : memref<350x64xbf16, #tpu.memory_space<vmem>>, vector<32xbf16>,
        %unpack3A_345 = tpu.unpack_subelements %get3A_344, 0 {pack_format = #tpu.pack_format<interleaved>} : vector<32xbf16> -> vector<16xf32>
        %unpack3A_346 = tpu.unpack_subelements %get3A_344, 1 {pack_format = #tpu.pack_format<interleaved>} : vector<32xbf16> -> vector<16xf32>
        %get3A_347 = arith.index_cast %add3A_341 : i32 to index
        %get3A_348 = arith.constant 32 : index
        %get3A_349 = tpu.vector_load %arg8[%get3A_347, %get3A_348] {strides = array<i32>} : memref<350x64xbf16, #tpu.memory_space<vmem>>, vector<32xbf16>,
        %unpack3A_350 = tpu.unpack_subelements %get3A_349, 0 {pack_format = #tpu.pack_format<interleaved>} : vector<32xbf16> -> vector<16xf32>
        %unpack3A_351 = tpu.unpack_subelements %get3A_349, 1 {pack_format = #tpu.pack_format<interleaved>} : vector<32xbf16> -> vector<16xf32>
        %add3A_352 = arith.addf %add3A_320, %unpack3A_345 : vector<16xf32>
        %add3A_353 = arith.addf %add3A_321, %unpack3A_346 : vector<16xf32>
        %add3A_354 = arith.addf %add3A_322, %unpack3A_350 : vector<16xf32>
        %add3A_355 = arith.addf %add3A_323, %unpack3A_351 : vector<16xf32>
        %add3A_356 = arith.constant 3 : i32
        %add3A_357 = arith.addi %mul3A_311, %add3A_356 : i32
        %get3A_358 = arith.index_cast %add3A_357 : i32 to index
        %get3A_359 = arith.constant 0 : index
        %get3A_360 = tpu.vector_load %arg8[%get3A_358, %get3A_359] {strides = array<i32>} : memref<350x64xbf16, #tpu.memory_space<vmem>>, vector<32xbf16>,
        %unpack3A_361 = tpu.unpack_subelements %get3A_360, 0 {pack_format = #tpu.pack_format<interleaved>} : vector<32xbf16> -> vector<16xf32>
        %unpack3A_362 = tpu.unpack_subelements %get3A_360, 1 {pack_format = #tpu.pack_format<interleaved>} : vector<32xbf16> -> vector<16xf32>
        %get3A_363 = arith.index_cast %add3A_357 : i32 to index
        %get3A_364 = arith.constant 32 : index
        %get3A_365 = tpu.vector_load %arg8[%get3A_363, %get3A_364] {strides = array<i32>} : memref<350x64xbf16, #tpu.memory_space<vmem>>, vector<32xbf16>,
        %unpack3A_366 = tpu.unpack_subelements %get3A_365, 0 {pack_format = #tpu.pack_format<interleaved>} : vector<32xbf16> -> vector<16xf32>
        %unpack3A_367 = tpu.unpack_subelements %get3A_365, 1 {pack_format = #tpu.pack_format<interleaved>} : vector<32xbf16> -> vector<16xf32>
        %add3A_368 = arith.addf %add3A_336, %unpack3A_361 : vector<16xf32>
        %add3A_369 = arith.addf %add3A_337, %unpack3A_362 : vector<16xf32>
        %add3A_370 = arith.addf %add3A_338, %unpack3A_366 : vector<16xf32>
        %add3A_371 = arith.addf %add3A_339, %unpack3A_367 : vector<16xf32>
        %add3A_372 = arith.constant 4 : i32
        %add3A_373 = arith.addi %mul3A_311, %add3A_372 : i32
        %get3A_374 = arith.index_cast %add3A_373 : i32 to index
        %get3A_375 = arith.constant 0 : index
        %get3A_376 = tpu.vector_load %arg8[%get3A_374, %get3A_375] {strides = array<i32>} : memref<350x64xbf16, #tpu.memory_space<vmem>>, vector<32xbf16>,
        %unpack3A_377 = tpu.unpack_subelements %get3A_376, 0 {pack_format = #tpu.pack_format<interleaved>} : vector<32xbf16> -> vector<16xf32>
        %unpack3A_378 = tpu.unpack_subelements %get3A_376, 1 {pack_format = #tpu.pack_format<interleaved>} : vector<32xbf16> -> vector<16xf32>
        %get3A_379 = arith.index_cast %add3A_373 : i32 to index
        %get3A_380 = arith.constant 32 : index
        %get3A_381 = tpu.vector_load %arg8[%get3A_379, %get3A_380] {strides = array<i32>} : memref<350x64xbf16, #tpu.memory_space<vmem>>, vector<32xbf16>,
        %unpack3A_382 = tpu.unpack_subelements %get3A_381, 0 {pack_format = #tpu.pack_format<interleaved>} : vector<32xbf16> -> vector<16xf32>
        %unpack3A_383 = tpu.unpack_subelements %get3A_381, 1 {pack_format = #tpu.pack_format<interleaved>} : vector<32xbf16> -> vector<16xf32>
        %add3A_384 = arith.addf %add3A_352, %unpack3A_377 : vector<16xf32>
        %add3A_385 = arith.addf %add3A_353, %unpack3A_378 : vector<16xf32>
        %add3A_386 = arith.addf %add3A_354, %unpack3A_382 : vector<16xf32>
        %add3A_387 = arith.addf %add3A_355, %unpack3A_383 : vector<16xf32>
        scf.yield %add3A_384, %add3A_385, %add3A_386, %add3A_387, %add3A_368, %add3A_369, %add3A_370, %add3A_371 : vector<16xf32>, vector<16xf32>, vector<16xf32>, vector<16xf32>, vector<16xf32>, vector<16xf32>, vector<16xf32>, vector<16xf32>
      }
      %scan3A_276 = arith.constant 70 : i32
      %broadcast_in_dim3A_277 = vector.broadcast %add3A_268 : i32 to vector<16xi32>
      %add3A_278 = arith.addf %scan3A_275#0, %scan3A_275#4 : vector<16xf32>
      %mul3A_279 = arith.constant 0.00285714283 : f32
      %mul3A_280 = vector.broadcast %mul3A_279 : f32 to vector<16xf32>
      %mul3A_281 = arith.mulf %add3A_278, %mul3A_280 : vector<16xf32>
      tpu.vector_store_idx %arg9[%broadcast_in_dim3A_277, %mul3A_5], %mul3A_281 : memref<128x50xf32, #tpu.memory_space<vmem>>[vector<16xi32>, vector<16xi32>], vector<16xf32>,
      %add3A_282 = arith.addf %scan3A_275#1, %scan3A_275#5 : vector<16xf32>
      %mul3A_283 = arith.constant 0.00285714283 : f32
      %mul3A_284 = vector.broadcast %mul3A_283 : f32 to vector<16xf32>
      %mul3A_285 = arith.mulf %add3A_282, %mul3A_284 : vector<16xf32>
      tpu.vector_store_idx %arg9[%broadcast_in_dim3A_277, %add3A_11], %mul3A_285 : memref<128x50xf32, #tpu.memory_space<vmem>>[vector<16xi32>, vector<16xi32>], vector<16xf32>,
      %add3A_286 = arith.addf %scan3A_275#2, %scan3A_275#6 : vector<16xf32>
      %mul3A_287 = arith.constant 0.00285714283 : f32
      %mul3A_288 = vector.broadcast %mul3A_287 : f32 to vector<16xf32>
      %mul3A_289 = arith.mulf %add3A_286, %mul3A_288 : vector<16xf32>
      tpu.vector_store_idx %arg9[%broadcast_in_dim3A_277, %add3A_17], %mul3A_289 masked %lt3A_25 : memref<128x50xf32, #tpu.memory_space<vmem>>[vector<16xi32>, vector<16xi32>], vector<16xf32>, vector<16xi1>
      %add3A_290 = arith.addf %scan3A_275#3, %scan3A_275#7 : vector<16xf32>
      %mul3A_291 = arith.constant 0.00285714283 : f32
      %mul3A_292 = vector.broadcast %mul3A_291 : f32 to vector<16xf32>
      %mul3A_293 = arith.mulf %add3A_290, %mul3A_292 : vector<16xf32>
      tpu.vector_store_idx %arg9[%broadcast_in_dim3A_277, %add3A_23], %mul3A_293 masked %lt3A_25 : memref<128x50xf32, #tpu.memory_space<vmem>>[vector<16xi32>, vector<16xi32>], vector<16xf32>, vector<16xi1>
      %add3A_294 = arith.constant 5 : i32
      %add3A_295 = arith.addi %mul3A_184, %add3A_294 : i32
      %lt3A_296 = arith.constant 128 : i32
      %lt3A_297 = arith.cmpi slt, %add3A_295, %lt3A_296 : i32
      %convert_element_type3A_298 = arith.extui %lt3A_297 : i1 to i32
      %cond3A_299 = arith.constant 0 : i32
      %cond3A_300 = arith.cmpi ne, %convert_element_type3A_298, %cond3A_299 : i32
      scf.if %cond3A_300 {
        %dma_start3A_301 = arith.constant 0 : i32
        %dma_start3A_302 = arith.constant 0 : i32
        %dma_start3A_303 = tpu.memref_slice %arg8[%dma_start3A_301, %dma_start3A_302] : memref<350x64xbf16, #tpu.memory_space<vmem>> -> memref<128x64xbf16, #tpu.memory_space<vmem>>
        %dma_start3A_304 = arith.constant 0 : i32
        %dma_start3A_305 = tpu.memref_slice %arg5[%add3A_295, %dma_start3A_304] : memref<128x350xi32, #tpu.memory_space<vmem>> -> memref<1x128xi32, #tpu.memory_space<vmem>>
        %dma_start3A_306 = tpu.memref_squeeze %dma_start3A_305 : memref<1x128xi32, #tpu.memory_space<vmem>> -> memref<128xi32, #tpu.memory_space<vmem>>
        %dma_start3A_307 = arith.constant 0 : i32
        %dma_start3A_308 = arith.constant 0 : i32
        %dma_start3A_309 = tpu.memref_slice %arg2[%dma_start3A_307, %dma_start3A_308] : memref<400000x64xbf16, #tpu.memory_space<hbm>> -> memref<400000x64xbf16, #tpu.memory_space<hbm>>
        tpu.enqueue_indirect_dma source(%dma_start3A_309 : memref<400000x64xbf16, #tpu.memory_space<hbm>>) target(%dma_start3A_303 : memref<128x64xbf16, #tpu.memory_space<vmem>>) offsets(%dma_start3A_306 : memref<128xi32, #tpu.memory_space<vmem>>) semaphore(%arg12 : memref<!tpu.dma_semaphore, #tpu.memory_space<semaphore_mem>>)
        %dma_start3A_310 = arith.constant 128 : i32
        %dma_start3A_311 = arith.constant 0 : i32
        %dma_start3A_312 = tpu.memref_slice %arg8[%dma_start3A_310, %dma_start3A_311] : memref<350x64xbf16, #tpu.memory_space<vmem>> -> memref<128x64xbf16, #tpu.memory_space<vmem>>
        %dma_start3A_313 = arith.constant 128 : i32
        %dma_start3A_314 = tpu.memref_slice %arg5[%add3A_295, %dma_start3A_313] : memref<128x350xi32, #tpu.memory_space<vmem>> -> memref<1x128xi32, #tpu.memory_space<vmem>>
        %dma_start3A_315 = tpu.memref_squeeze %dma_start3A_314 : memref<1x128xi32, #tpu.memory_space<vmem>> -> memref<128xi32, #tpu.memory_space<vmem>>
        %dma_start3A_316 = arith.constant 0 : i32
        %dma_start3A_317 = arith.constant 0 : i32
        %dma_start3A_318 = tpu.memref_slice %arg2[%dma_start3A_316, %dma_start3A_317] : memref<400000x64xbf16, #tpu.memory_space<hbm>> -> memref<400000x64xbf16, #tpu.memory_space<hbm>>
        tpu.enqueue_indirect_dma source(%dma_start3A_318 : memref<400000x64xbf16, #tpu.memory_space<hbm>>) target(%dma_start3A_312 : memref<128x64xbf16, #tpu.memory_space<vmem>>) offsets(%dma_start3A_315 : memref<128xi32, #tpu.memory_space<vmem>>) semaphore(%arg12 : memref<!tpu.dma_semaphore, #tpu.memory_space<semaphore_mem>>)
        %dma_start3A_319 = arith.constant 256 : i32
        %dma_start3A_320 = arith.constant 0 : i32
        %dma_start3A_321 = tpu.memref_slice %arg8[%dma_start3A_319, %dma_start3A_320] : memref<350x64xbf16, #tpu.memory_space<vmem>> -> memref<94x64xbf16, #tpu.memory_space<vmem>>
        %dma_start3A_322 = arith.constant 256 : i32
        %dma_start3A_323 = tpu.memref_slice %arg5[%add3A_295, %dma_start3A_322] : memref<128x350xi32, #tpu.memory_space<vmem>> -> memref<1x94xi32, #tpu.memory_space<vmem>>
        %dma_start3A_324 = tpu.memref_squeeze %dma_start3A_323 : memref<1x94xi32, #tpu.memory_space<vmem>> -> memref<94xi32, #tpu.memory_space<vmem>>
        %dma_start3A_325 = arith.constant 0 : i32
        %dma_start3A_326 = arith.constant 0 : i32
        %dma_start3A_327 = tpu.memref_slice %arg2[%dma_start3A_325, %dma_start3A_326] : memref<400000x64xbf16, #tpu.memory_space<hbm>> -> memref<400000x64xbf16, #tpu.memory_space<hbm>>
        tpu.enqueue_indirect_dma source(%dma_start3A_327 : memref<400000x64xbf16, #tpu.memory_space<hbm>>) target(%dma_start3A_321 : memref<94x64xbf16, #tpu.memory_space<vmem>>) offsets(%dma_start3A_324 : memref<94xi32, #tpu.memory_space<vmem>>) semaphore(%arg12 : memref<!tpu.dma_semaphore, #tpu.memory_space<semaphore_mem>>)
      } else {
      }
    }
    %scan3A_119 = arith.constant 42 : i32
    %dma_wait3A = arith.constant 0 : i32
    %dma_wait3A_120 = arith.constant 0 : i32
    %dma_wait3A_121 = tpu.memref_slice %arg2[%dma_wait3A, %dma_wait3A_120] : memref<400000x64xbf16, #tpu.memory_space<hbm>> -> memref<350x64xbf16, #tpu.memory_space<hbm>>
    %dma_wait3A_122 = arith.constant 0 : i32
    %dma_wait3A_123 = arith.constant 0 : i32
    %dma_wait3A_124 = tpu.memref_slice %arg2[%dma_wait3A_122, %dma_wait3A_123] : memref<400000x64xbf16, #tpu.memory_space<hbm>> -> memref<350x64xbf16, #tpu.memory_space<hbm>>
    tpu.wait_dma2 semaphore(%arg10 : memref<!tpu.dma_semaphore, #tpu.memory_space<semaphore_mem>>) src(%dma_wait3A_124 : memref<350x64xbf16, #tpu.memory_space<hbm>>) dst(%arg6 : memref<350x64xbf16, #tpu.memory_space<vmem>>)
    %broadcast_in_dim3A = arith.constant 0.000000e+00 : f32
    %broadcast_in_dim3A_125 = vector.broadcast %broadcast_in_dim3A : f32 to vector<16xf32>
    %scan3A_126 = arith.constant 0 : i32
    %scan3A_127 = arith.constant 70 : i32
    %scan3A_128 = arith.addi %scan3A_126, %scan3A_127 : i32
    %scan3A_129 = arith.constant 1 : i32
    %scan3A_130:8 = scf.for %scan3A_182 = %scan3A_126 to %scan3A_128 step %scan3A_129 iter_args(%scan3A_183 = %broadcast_in_dim3A_125, %scan3A_184 = %broadcast_in_dim3A_125, %scan3A_185 = %broadcast_in_dim3A_125, %scan3A_186 = %broadcast_in_dim3A_125, %scan3A_187 = %broadcast_in_dim3A_125, %scan3A_188 = %broadcast_in_dim3A_125, %scan3A_189 = %broadcast_in_dim3A_125, %scan3A_190 = %broadcast_in_dim3A_125) -> (vector<16xf32>, vector<16xf32>, vector<16xf32>, vector<16xf32>, vector<16xf32>, vector<16xf32>, vector<16xf32>, vector<16xf32>)  : i32 {
      %mul3A_191 = arith.constant 5 : i32
      %mul3A_192 = arith.muli %scan3A_182, %mul3A_191 : i32
      %get3A = arith.index_cast %mul3A_192 : i32 to index
      %get3A_193 = arith.constant 0 : index
      %get3A_194 = tpu.vector_load %arg6[%get3A, %get3A_193] {strides = array<i32>} : memref<350x64xbf16, #tpu.memory_space<vmem>>, vector<32xbf16>,
      %unpack3A = tpu.unpack_subelements %get3A_194, 0 {pack_format = #tpu.pack_format<interleaved>} : vector<32xbf16> -> vector<16xf32>
      %unpack3A_195 = tpu.unpack_subelements %get3A_194, 1 {pack_format = #tpu.pack_format<interleaved>} : vector<32xbf16> -> vector<16xf32>
      %get3A_196 = arith.index_cast %mul3A_192 : i32 to index
      %get3A_197 = arith.constant 32 : index
      %get3A_198 = tpu.vector_load %arg6[%get3A_196, %get3A_197] {strides = array<i32>} : memref<350x64xbf16, #tpu.memory_space<vmem>>, vector<32xbf16>,
      %unpack3A_199 = tpu.unpack_subelements %get3A_198, 0 {pack_format = #tpu.pack_format<interleaved>} : vector<32xbf16> -> vector<16xf32>
      %unpack3A_200 = tpu.unpack_subelements %get3A_198, 1 {pack_format = #tpu.pack_format<interleaved>} : vector<32xbf16> -> vector<16xf32>
      %add3A_201 = arith.addf %scan3A_183, %unpack3A : vector<16xf32>
      %add3A_202 = arith.addf %scan3A_184, %unpack3A_195 : vector<16xf32>
      %add3A_203 = arith.addf %scan3A_185, %unpack3A_199 : vector<16xf32>
      %add3A_204 = arith.addf %scan3A_186, %unpack3A_200 : vector<16xf32>
      %add3A_205 = arith.constant 1 : i32
      %add3A_206 = arith.addi %mul3A_192, %add3A_205 : i32
      %get3A_207 = arith.index_cast %add3A_206 : i32 to index
      %get3A_208 = arith.constant 0 : index
      %get3A_209 = tpu.vector_load %arg6[%get3A_207, %get3A_208] {strides = array<i32>} : memref<350x64xbf16, #tpu.memory_space<vmem>>, vector<32xbf16>,
      %unpack3A_210 = tpu.unpack_subelements %get3A_209, 0 {pack_format = #tpu.pack_format<interleaved>} : vector<32xbf16> -> vector<16xf32>
      %unpack3A_211 = tpu.unpack_subelements %get3A_209, 1 {pack_format = #tpu.pack_format<interleaved>} : vector<32xbf16> -> vector<16xf32>
      %get3A_212 = arith.index_cast %add3A_206 : i32 to index
      %get3A_213 = arith.constant 32 : index
      %get3A_214 = tpu.vector_load %arg6[%get3A_212, %get3A_213] {strides = array<i32>} : memref<350x64xbf16, #tpu.memory_space<vmem>>, vector<32xbf16>,
      %unpack3A_215 = tpu.unpack_subelements %get3A_214, 0 {pack_format = #tpu.pack_format<interleaved>} : vector<32xbf16> -> vector<16xf32>
      %unpack3A_216 = tpu.unpack_subelements %get3A_214, 1 {pack_format = #tpu.pack_format<interleaved>} : vector<32xbf16> -> vector<16xf32>
      %add3A_217 = arith.addf %scan3A_187, %unpack3A_210 : vector<16xf32>
      %add3A_218 = arith.addf %scan3A_188, %unpack3A_211 : vector<16xf32>
      %add3A_219 = arith.addf %scan3A_189, %unpack3A_215 : vector<16xf32>
      %add3A_220 = arith.addf %scan3A_190, %unpack3A_216 : vector<16xf32>
      %add3A_221 = arith.constant 2 : i32
      %add3A_222 = arith.addi %mul3A_192, %add3A_221 : i32
      %get3A_223 = arith.index_cast %add3A_222 : i32 to index
      %get3A_224 = arith.constant 0 : index
      %get3A_225 = tpu.vector_load %arg6[%get3A_223, %get3A_224] {strides = array<i32>} : memref<350x64xbf16, #tpu.memory_space<vmem>>, vector<32xbf16>,
      %unpack3A_226 = tpu.unpack_subelements %get3A_225, 0 {pack_format = #tpu.pack_format<interleaved>} : vector<32xbf16> -> vector<16xf32>
      %unpack3A_227 = tpu.unpack_subelements %get3A_225, 1 {pack_format = #tpu.pack_format<interleaved>} : vector<32xbf16> -> vector<16xf32>
      %get3A_228 = arith.index_cast %add3A_222 : i32 to index
      %get3A_229 = arith.constant 32 : index
      %get3A_230 = tpu.vector_load %arg6[%get3A_228, %get3A_229] {strides = array<i32>} : memref<350x64xbf16, #tpu.memory_space<vmem>>, vector<32xbf16>,
      %unpack3A_231 = tpu.unpack_subelements %get3A_230, 0 {pack_format = #tpu.pack_format<interleaved>} : vector<32xbf16> -> vector<16xf32>
      %unpack3A_232 = tpu.unpack_subelements %get3A_230, 1 {pack_format = #tpu.pack_format<interleaved>} : vector<32xbf16> -> vector<16xf32>
      %add3A_233 = arith.addf %add3A_201, %unpack3A_226 : vector<16xf32>
      %add3A_234 = arith.addf %add3A_202, %unpack3A_227 : vector<16xf32>
      %add3A_235 = arith.addf %add3A_203, %unpack3A_231 : vector<16xf32>
      %add3A_236 = arith.addf %add3A_204, %unpack3A_232 : vector<16xf32>
      %add3A_237 = arith.constant 3 : i32
      %add3A_238 = arith.addi %mul3A_192, %add3A_237 : i32
      %get3A_239 = arith.index_cast %add3A_238 : i32 to index
      %get3A_240 = arith.constant 0 : index
      %get3A_241 = tpu.vector_load %arg6[%get3A_239, %get3A_240] {strides = array<i32>} : memref<350x64xbf16, #tpu.memory_space<vmem>>, vector<32xbf16>,
      %unpack3A_242 = tpu.unpack_subelements %get3A_241, 0 {pack_format = #tpu.pack_format<interleaved>} : vector<32xbf16> -> vector<16xf32>
      %unpack3A_243 = tpu.unpack_subelements %get3A_241, 1 {pack_format = #tpu.pack_format<interleaved>} : vector<32xbf16> -> vector<16xf32>
      %get3A_244 = arith.index_cast %add3A_238 : i32 to index
      %get3A_245 = arith.constant 32 : index
      %get3A_246 = tpu.vector_load %arg6[%get3A_244, %get3A_245] {strides = array<i32>} : memref<350x64xbf16, #tpu.memory_space<vmem>>, vector<32xbf16>,
      %unpack3A_247 = tpu.unpack_subelements %get3A_246, 0 {pack_format = #tpu.pack_format<interleaved>} : vector<32xbf16> -> vector<16xf32>
      %unpack3A_248 = tpu.unpack_subelements %get3A_246, 1 {pack_format = #tpu.pack_format<interleaved>} : vector<32xbf16> -> vector<16xf32>
      %add3A_249 = arith.addf %add3A_217, %unpack3A_242 : vector<16xf32>
      %add3A_250 = arith.addf %add3A_218, %unpack3A_243 : vector<16xf32>
      %add3A_251 = arith.addf %add3A_219, %unpack3A_247 : vector<16xf32>
      %add3A_252 = arith.addf %add3A_220, %unpack3A_248 : vector<16xf32>
      %add3A_253 = arith.constant 4 : i32
      %add3A_254 = arith.addi %mul3A_192, %add3A_253 : i32
      %get3A_255 = arith.index_cast %add3A_254 : i32 to index
      %get3A_256 = arith.constant 0 : index
      %get3A_257 = tpu.vector_load %arg6[%get3A_255, %get3A_256] {strides = array<i32>} : memref<350x64xbf16, #tpu.memory_space<vmem>>, vector<32xbf16>,
      %unpack3A_258 = tpu.unpack_subelements %get3A_257, 0 {pack_format = #tpu.pack_format<interleaved>} : vector<32xbf16> -> vector<16xf32>
      %unpack3A_259 = tpu.unpack_subelements %get3A_257, 1 {pack_format = #tpu.pack_format<interleaved>} : vector<32xbf16> -> vector<16xf32>
      %get3A_260 = arith.index_cast %add3A_254 : i32 to index
      %get3A_261 = arith.constant 32 : index
      %get3A_262 = tpu.vector_load %arg6[%get3A_260, %get3A_261] {strides = array<i32>} : memref<350x64xbf16, #tpu.memory_space<vmem>>, vector<32xbf16>,
      %unpack3A_263 = tpu.unpack_subelements %get3A_262, 0 {pack_format = #tpu.pack_format<interleaved>} : vector<32xbf16> -> vector<16xf32>
      %unpack3A_264 = tpu.unpack_subelements %get3A_262, 1 {pack_format = #tpu.pack_format<interleaved>} : vector<32xbf16> -> vector<16xf32>
      %add3A_265 = arith.addf %add3A_233, %unpack3A_258 : vector<16xf32>
      %add3A_266 = arith.addf %add3A_234, %unpack3A_259 : vector<16xf32>
      %add3A_267 = arith.addf %add3A_235, %unpack3A_263 : vector<16xf32>
      %add3A_268 = arith.addf %add3A_236, %unpack3A_264 : vector<16xf32>
      scf.yield %add3A_265, %add3A_266, %add3A_267, %add3A_268, %add3A_249, %add3A_250, %add3A_251, %add3A_252 : vector<16xf32>, vector<16xf32>, vector<16xf32>, vector<16xf32>, vector<16xf32>, vector<16xf32>, vector<16xf32>, vector<16xf32>
    }
    %scan3A_131 = arith.constant 70 : i32
    %broadcast_in_dim3A_132 = arith.constant 126 : i32
    %broadcast_in_dim3A_133 = vector.broadcast %broadcast_in_dim3A_132 : i32 to vector<16xi32>
    %add3A_134 = arith.addf %scan3A_130#0, %scan3A_130#4 : vector<16xf32>
    %mul3A_135 = arith.constant 0.00285714283 : f32
    %mul3A_136 = vector.broadcast %mul3A_135 : f32 to vector<16xf32>
    %mul3A_137 = arith.mulf %add3A_134, %mul3A_136 : vector<16xf32>
    tpu.vector_store_idx %arg9[%broadcast_in_dim3A_133, %mul3A_5], %mul3A_137 : memref<128x50xf32, #tpu.memory_space<vmem>>[vector<16xi32>, vector<16xi32>], vector<16xf32>,
    %add3A_138 = arith.addf %scan3A_130#1, %scan3A_130#5 : vector<16xf32>
    %mul3A_139 = arith.constant 0.00285714283 : f32
    %mul3A_140 = vector.broadcast %mul3A_139 : f32 to vector<16xf32>
    %mul3A_141 = arith.mulf %add3A_138, %mul3A_140 : vector<16xf32>
    tpu.vector_store_idx %arg9[%broadcast_in_dim3A_133, %add3A_11], %mul3A_141 : memref<128x50xf32, #tpu.memory_space<vmem>>[vector<16xi32>, vector<16xi32>], vector<16xf32>,
    %add3A_142 = arith.addf %scan3A_130#2, %scan3A_130#6 : vector<16xf32>
    %mul3A_143 = arith.constant 0.00285714283 : f32
    %mul3A_144 = vector.broadcast %mul3A_143 : f32 to vector<16xf32>
    %mul3A_145 = arith.mulf %add3A_142, %mul3A_144 : vector<16xf32>
    tpu.vector_store_idx %arg9[%broadcast_in_dim3A_133, %add3A_17], %mul3A_145 masked %lt3A_25 : memref<128x50xf32, #tpu.memory_space<vmem>>[vector<16xi32>, vector<16xi32>], vector<16xf32>, vector<16xi1>
    %add3A_146 = arith.addf %scan3A_130#3, %scan3A_130#7 : vector<16xf32>
    %mul3A_147 = arith.constant 0.00285714283 : f32
    %mul3A_148 = vector.broadcast %mul3A_147 : f32 to vector<16xf32>
    %mul3A_149 = arith.mulf %add3A_146, %mul3A_148 : vector<16xf32>
    tpu.vector_store_idx %arg9[%broadcast_in_dim3A_133, %add3A_23], %mul3A_149 masked %lt3A_25 : memref<128x50xf32, #tpu.memory_space<vmem>>[vector<16xi32>, vector<16xi32>], vector<16xf32>, vector<16xi1>
    %dma_wait3A_150 = arith.constant 0 : i32
    %dma_wait3A_151 = arith.constant 0 : i32
    %dma_wait3A_152 = tpu.memref_slice %arg2[%dma_wait3A_150, %dma_wait3A_151] : memref<400000x64xbf16, #tpu.memory_space<hbm>> -> memref<350x64xbf16, #tpu.memory_space<hbm>>
    %dma_wait3A_153 = arith.constant 0 : i32
    %dma_wait3A_154 = arith.constant 0 : i32
    %dma_wait3A_155 = tpu.memref_slice %arg2[%dma_wait3A_153, %dma_wait3A_154] : memref<400000x64xbf16, #tpu.memory_space<hbm>> -> memref<350x64xbf16, #tpu.memory_space<hbm>>
    tpu.wait_dma2 semaphore(%arg11 : memref<!tpu.dma_semaphore, #tpu.memory_space<semaphore_mem>>) src(%dma_wait3A_155 : memref<350x64xbf16, #tpu.memory_space<hbm>>) dst(%arg7 : memref<350x64xbf16, #tpu.memory_space<vmem>>)
    %broadcast_in_dim3A_156 = arith.constant 0.000000e+00 : f32
    %broadcast_in_dim3A_157 = vector.broadcast %broadcast_in_dim3A_156 : f32 to vector<16xf32>
    %scan3A_158 = arith.constant 0 : i32
    %scan3A_159 = arith.constant 70 : i32
    %scan3A_160 = arith.addi %scan3A_158, %scan3A_159 : i32
    %scan3A_161 = arith.constant 1 : i32
    %scan3A_162:8 = scf.for %scan3A_182 = %scan3A_158 to %scan3A_160 step %scan3A_161 iter_args(%scan3A_183 = %broadcast_in_dim3A_157, %scan3A_184 = %broadcast_in_dim3A_157, %scan3A_185 = %broadcast_in_dim3A_157, %scan3A_186 = %broadcast_in_dim3A_157, %scan3A_187 = %broadcast_in_dim3A_157, %scan3A_188 = %broadcast_in_dim3A_157, %scan3A_189 = %broadcast_in_dim3A_157, %scan3A_190 = %broadcast_in_dim3A_157) -> (vector<16xf32>, vector<16xf32>, vector<16xf32>, vector<16xf32>, vector<16xf32>, vector<16xf32>, vector<16xf32>, vector<16xf32>)  : i32 {
      %mul3A_191 = arith.constant 5 : i32
      %mul3A_192 = arith.muli %scan3A_182, %mul3A_191 : i32
      %get3A = arith.index_cast %mul3A_192 : i32 to index
      %get3A_193 = arith.constant 0 : index
      %get3A_194 = tpu.vector_load %arg7[%get3A, %get3A_193] {strides = array<i32>} : memref<350x64xbf16, #tpu.memory_space<vmem>>, vector<32xbf16>,
      %unpack3A = tpu.unpack_subelements %get3A_194, 0 {pack_format = #tpu.pack_format<interleaved>} : vector<32xbf16> -> vector<16xf32>
      %unpack3A_195 = tpu.unpack_subelements %get3A_194, 1 {pack_format = #tpu.pack_format<interleaved>} : vector<32xbf16> -> vector<16xf32>
      %get3A_196 = arith.index_cast %mul3A_192 : i32 to index
      %get3A_197 = arith.constant 32 : index
      %get3A_198 = tpu.vector_load %arg7[%get3A_196, %get3A_197] {strides = array<i32>} : memref<350x64xbf16, #tpu.memory_space<vmem>>, vector<32xbf16>,
      %unpack3A_199 = tpu.unpack_subelements %get3A_198, 0 {pack_format = #tpu.pack_format<interleaved>} : vector<32xbf16> -> vector<16xf32>
      %unpack3A_200 = tpu.unpack_subelements %get3A_198, 1 {pack_format = #tpu.pack_format<interleaved>} : vector<32xbf16> -> vector<16xf32>
      %add3A_201 = arith.addf %scan3A_183, %unpack3A : vector<16xf32>
      %add3A_202 = arith.addf %scan3A_184, %unpack3A_195 : vector<16xf32>
      %add3A_203 = arith.addf %scan3A_185, %unpack3A_199 : vector<16xf32>
      %add3A_204 = arith.addf %scan3A_186, %unpack3A_200 : vector<16xf32>
      %add3A_205 = arith.constant 1 : i32
      %add3A_206 = arith.addi %mul3A_192, %add3A_205 : i32
      %get3A_207 = arith.index_cast %add3A_206 : i32 to index
      %get3A_208 = arith.constant 0 : index
      %get3A_209 = tpu.vector_load %arg7[%get3A_207, %get3A_208] {strides = array<i32>} : memref<350x64xbf16, #tpu.memory_space<vmem>>, vector<32xbf16>,
      %unpack3A_210 = tpu.unpack_subelements %get3A_209, 0 {pack_format = #tpu.pack_format<interleaved>} : vector<32xbf16> -> vector<16xf32>
      %unpack3A_211 = tpu.unpack_subelements %get3A_209, 1 {pack_format = #tpu.pack_format<interleaved>} : vector<32xbf16> -> vector<16xf32>
      %get3A_212 = arith.index_cast %add3A_206 : i32 to index
      %get3A_213 = arith.constant 32 : index
      %get3A_214 = tpu.vector_load %arg7[%get3A_212, %get3A_213] {strides = array<i32>} : memref<350x64xbf16, #tpu.memory_space<vmem>>, vector<32xbf16>,
      %unpack3A_215 = tpu.unpack_subelements %get3A_214, 0 {pack_format = #tpu.pack_format<interleaved>} : vector<32xbf16> -> vector<16xf32>
      %unpack3A_216 = tpu.unpack_subelements %get3A_214, 1 {pack_format = #tpu.pack_format<interleaved>} : vector<32xbf16> -> vector<16xf32>
      %add3A_217 = arith.addf %scan3A_187, %unpack3A_210 : vector<16xf32>
      %add3A_218 = arith.addf %scan3A_188, %unpack3A_211 : vector<16xf32>
      %add3A_219 = arith.addf %scan3A_189, %unpack3A_215 : vector<16xf32>
      %add3A_220 = arith.addf %scan3A_190, %unpack3A_216 : vector<16xf32>
      %add3A_221 = arith.constant 2 : i32
      %add3A_222 = arith.addi %mul3A_192, %add3A_221 : i32
      %get3A_223 = arith.index_cast %add3A_222 : i32 to index
      %get3A_224 = arith.constant 0 : index
      %get3A_225 = tpu.vector_load %arg7[%get3A_223, %get3A_224] {strides = array<i32>} : memref<350x64xbf16, #tpu.memory_space<vmem>>, vector<32xbf16>,
      %unpack3A_226 = tpu.unpack_subelements %get3A_225, 0 {pack_format = #tpu.pack_format<interleaved>} : vector<32xbf16> -> vector<16xf32>
      %unpack3A_227 = tpu.unpack_subelements %get3A_225, 1 {pack_format = #tpu.pack_format<interleaved>} : vector<32xbf16> -> vector<16xf32>
      %get3A_228 = arith.index_cast %add3A_222 : i32 to index
      %get3A_229 = arith.constant 32 : index
      %get3A_230 = tpu.vector_load %arg7[%get3A_228, %get3A_229] {strides = array<i32>} : memref<350x64xbf16, #tpu.memory_space<vmem>>, vector<32xbf16>,
      %unpack3A_231 = tpu.unpack_subelements %get3A_230, 0 {pack_format = #tpu.pack_format<interleaved>} : vector<32xbf16> -> vector<16xf32>
      %unpack3A_232 = tpu.unpack_subelements %get3A_230, 1 {pack_format = #tpu.pack_format<interleaved>} : vector<32xbf16> -> vector<16xf32>
      %add3A_233 = arith.addf %add3A_201, %unpack3A_226 : vector<16xf32>
      %add3A_234 = arith.addf %add3A_202, %unpack3A_227 : vector<16xf32>
      %add3A_235 = arith.addf %add3A_203, %unpack3A_231 : vector<16xf32>
      %add3A_236 = arith.addf %add3A_204, %unpack3A_232 : vector<16xf32>
      %add3A_237 = arith.constant 3 : i32
      %add3A_238 = arith.addi %mul3A_192, %add3A_237 : i32
      %get3A_239 = arith.index_cast %add3A_238 : i32 to index
      %get3A_240 = arith.constant 0 : index
      %get3A_241 = tpu.vector_load %arg7[%get3A_239, %get3A_240] {strides = array<i32>} : memref<350x64xbf16, #tpu.memory_space<vmem>>, vector<32xbf16>,
      %unpack3A_242 = tpu.unpack_subelements %get3A_241, 0 {pack_format = #tpu.pack_format<interleaved>} : vector<32xbf16> -> vector<16xf32>
      %unpack3A_243 = tpu.unpack_subelements %get3A_241, 1 {pack_format = #tpu.pack_format<interleaved>} : vector<32xbf16> -> vector<16xf32>
      %get3A_244 = arith.index_cast %add3A_238 : i32 to index
      %get3A_245 = arith.constant 32 : index
      %get3A_246 = tpu.vector_load %arg7[%get3A_244, %get3A_245] {strides = array<i32>} : memref<350x64xbf16, #tpu.memory_space<vmem>>, vector<32xbf16>,
      %unpack3A_247 = tpu.unpack_subelements %get3A_246, 0 {pack_format = #tpu.pack_format<interleaved>} : vector<32xbf16> -> vector<16xf32>
      %unpack3A_248 = tpu.unpack_subelements %get3A_246, 1 {pack_format = #tpu.pack_format<interleaved>} : vector<32xbf16> -> vector<16xf32>
      %add3A_249 = arith.addf %add3A_217, %unpack3A_242 : vector<16xf32>
      %add3A_250 = arith.addf %add3A_218, %unpack3A_243 : vector<16xf32>
      %add3A_251 = arith.addf %add3A_219, %unpack3A_247 : vector<16xf32>
      %add3A_252 = arith.addf %add3A_220, %unpack3A_248 : vector<16xf32>
      %add3A_253 = arith.constant 4 : i32
      %add3A_254 = arith.addi %mul3A_192, %add3A_253 : i32
      %get3A_255 = arith.index_cast %add3A_254 : i32 to index
      %get3A_256 = arith.constant 0 : index
      %get3A_257 = tpu.vector_load %arg7[%get3A_255, %get3A_256] {strides = array<i32>} : memref<350x64xbf16, #tpu.memory_space<vmem>>, vector<32xbf16>,
      %unpack3A_258 = tpu.unpack_subelements %get3A_257, 0 {pack_format = #tpu.pack_format<interleaved>} : vector<32xbf16> -> vector<16xf32>
      %unpack3A_259 = tpu.unpack_subelements %get3A_257, 1 {pack_format = #tpu.pack_format<interleaved>} : vector<32xbf16> -> vector<16xf32>
      %get3A_260 = arith.index_cast %add3A_254 : i32 to index
      %get3A_261 = arith.constant 32 : index
      %get3A_262 = tpu.vector_load %arg7[%get3A_260, %get3A_261] {strides = array<i32>} : memref<350x64xbf16, #tpu.memory_space<vmem>>, vector<32xbf16>,
      %unpack3A_263 = tpu.unpack_subelements %get3A_262, 0 {pack_format = #tpu.pack_format<interleaved>} : vector<32xbf16> -> vector<16xf32>
      %unpack3A_264 = tpu.unpack_subelements %get3A_262, 1 {pack_format = #tpu.pack_format<interleaved>} : vector<32xbf16> -> vector<16xf32>
      %add3A_265 = arith.addf %add3A_233, %unpack3A_258 : vector<16xf32>
      %add3A_266 = arith.addf %add3A_234, %unpack3A_259 : vector<16xf32>
      %add3A_267 = arith.addf %add3A_235, %unpack3A_263 : vector<16xf32>
      %add3A_268 = arith.addf %add3A_236, %unpack3A_264 : vector<16xf32>
      scf.yield %add3A_265, %add3A_266, %add3A_267, %add3A_268, %add3A_249, %add3A_250, %add3A_251, %add3A_252 : vector<16xf32>, vector<16xf32>, vector<16xf32>, vector<16xf32>, vector<16xf32>, vector<16xf32>, vector<16xf32>, vector<16xf32>
    }
    %scan3A_163 = arith.constant 70 : i32
    %broadcast_in_dim3A_164 = arith.constant 127 : i32
    %broadcast_in_dim3A_165 = vector.broadcast %broadcast_in_dim3A_164 : i32 to vector<16xi32>
    %add3A_166 = arith.addf %scan3A_162#0, %scan3A_162#4 : vector<16xf32>
    %mul3A_167 = arith.constant 0.00285714283 : f32
    %mul3A_168 = vector.broadcast %mul3A_167 : f32 to vector<16xf32>
    %mul3A_169 = arith.mulf %add3A_166, %mul3A_168 : vector<16xf32>
    tpu.vector_store_idx %arg9[%broadcast_in_dim3A_165, %mul3A_5], %mul3A_169 : memref<128x50xf32, #tpu.memory_space<vmem>>[vector<16xi32>, vector<16xi32>], vector<16xf32>,
    %add3A_170 = arith.addf %scan3A_162#1, %scan3A_162#5 : vector<16xf32>
    %mul3A_171 = arith.constant 0.00285714283 : f32
    %mul3A_172 = vector.broadcast %mul3A_171 : f32 to vector<16xf32>
    %mul3A_173 = arith.mulf %add3A_170, %mul3A_172 : vector<16xf32>
    tpu.vector_store_idx %arg9[%broadcast_in_dim3A_165, %add3A_11], %mul3A_173 : memref<128x50xf32, #tpu.memory_space<vmem>>[vector<16xi32>, vector<16xi32>], vector<16xf32>,
    %add3A_174 = arith.addf %scan3A_162#2, %scan3A_162#6 : vector<16xf32>
    %mul3A_175 = arith.constant 0.00285714283 : f32
    %mul3A_176 = vector.broadcast %mul3A_175 : f32 to vector<16xf32>
    %mul3A_177 = arith.mulf %add3A_174, %mul3A_176 : vector<16xf32>
    tpu.vector_store_idx %arg9[%broadcast_in_dim3A_165, %add3A_17], %mul3A_177 masked %lt3A_25 : memref<128x50xf32, #tpu.memory_space<vmem>>[vector<16xi32>, vector<16xi32>], vector<16xf32>, vector<16xi1>
    %add3A_178 = arith.addf %scan3A_162#3, %scan3A_162#7 : vector<16xf32>
    %mul3A_179 = arith.constant 0.00285714283 : f32
    %mul3A_180 = vector.broadcast %mul3A_179 : f32 to vector<16xf32>
    %mul3A_181 = arith.mulf %add3A_178, %mul3A_180 : vector<16xf32>
    tpu.vector_store_idx %arg9[%broadcast_in_dim3A_165, %add3A_23], %mul3A_181 masked %lt3A_25 : memref<128x50xf32, #tpu.memory_space<vmem>>[vector<16xi32>, vector<16xi32>], vector<16xf32>, vector<16xi1>
    "tpu.region"() ({
      %run_scoped3A = tpu.sem_alloc : memref<!tpu.dma_semaphore, #tpu.memory_space<semaphore_mem>>
      %dma_start3A_182 = arith.constant 0 : i32
      %dma_start3A_183 = tpu.memref_slice %arg4[%mul3A_2, %dma_start3A_182] : memref<4096x50xf32, #tpu.memory_space<hbm>> -> memref<128x50xf32, #tpu.memory_space<hbm>>
      %dma_start3A_184 = arith.constant 0 : i32
      %dma_start3A_185 = tpu.memref_slice %arg4[%mul3A_2, %dma_start3A_184] : memref<4096x50xf32, #tpu.memory_space<hbm>> -> memref<128x50xf32, #tpu.memory_space<hbm>>
      tpu.enqueue_dma source(%arg9 : memref<128x50xf32, #tpu.memory_space<vmem>>) target(%dma_start3A_185 : memref<128x50xf32, #tpu.memory_space<hbm>>) target_semaphore(%run_scoped3A : memref<!tpu.dma_semaphore, #tpu.memory_space<semaphore_mem>>)
      %dma_wait3A_186 = arith.constant 0 : i32
      %dma_wait3A_187 = tpu.memref_slice %arg4[%mul3A_2, %dma_wait3A_186] : memref<4096x50xf32, #tpu.memory_space<hbm>> -> memref<128x50xf32, #tpu.memory_space<hbm>>
      %dma_wait3A_188 = arith.constant 0 : i32
      %dma_wait3A_189 = tpu.memref_slice %arg4[%mul3A_2, %dma_wait3A_188] : memref<4096x50xf32, #tpu.memory_space<hbm>> -> memref<128x50xf32, #tpu.memory_space<hbm>>
      tpu.wait_dma2 semaphore(%run_scoped3A : memref<!tpu.dma_semaphore, #tpu.memory_space<semaphore_mem>>) src(%arg9 : memref<128x50xf32, #tpu.memory_space<vmem>>) dst(%dma_wait3A_189 : memref<128x50xf32, #tpu.memory_space<hbm>>)
      tpu.yield
    }) : () -> ()
    return
  }
}

</mosaic_0001>

<sc_bundles>
// kernel: kernel.3.cloned.1.call-start
scs
__scs_entry_jumppad:
0x0: {  	(pc) =	sbr.rel $0x88, $3  }
0x1: {  	(tag) =	ssettag $0x0;
	lr =	simm.s32 $0x1  }
0x2: {  	[smem:$0x3F9F] =	sst lr;
	_ =	strace $0xD0000000  }
0x3: {  	_ = 	snop  }
0x4: {  	_ = 	snop  }
0x5: {  	_ = 	snop  }
0x6: {  	_ = 	snop  }
0x7: {  	_ = 	snop  }
__scs_overlays_trampoline_lowered:
0x8: {  	[smem:$0x3FAE] =	sst s0  }
0x9: {  	[smem:$0x3FAF] =	sst s1  }
0xa: {  	[smem:$0x3FB0] =	sst s2  }
0xb: {  	[smem:$0x3FB1] =	sst s3  }
0xc: {  	[smem:$0x3FB2] =	sst s4  }
0xd: {  	[smem:$0x3FB3] =	sst s5  }
0xe: {  	[smem:$0x3FB4] =	sst s6  }
0xf: {  	[smem:$0x3FB5] =	sst s7  }
0x10: {  	[smem:$0x3FB6] =	sst s8  }
0x11: {  	[smem:$0x3FB7] =	sst s9;
	s0 =	simm.s32 @!p0 $0x0  }
0x12: {  	s1 =	sld [smem:$0x3F9D];
	s0 =	simm.s32 @p0 $0x1  }
0x13: {  	[smem:$0x3FB8] =	sst s0;
	s0 =	simm.s32 @!p1 $0x0  }
0x14: {  	s2 =	sld [smem:$0x3F9C];
	s0 =	simm.s32 @p1 $0x1  }
0x15: {  	[smem:$0x3FB9] =	sst s0;
	s0 =	simm.s32 @!p2 $0x0  }
0x16: {  	s3 =	sld [smem:$0x3FDB];
	s0 =	simm.s32 @p2 $0x1  }
0x17: {  	s4 =	simm.s32 $0x1BF5;
	[smem:$0x3FBB] =	sst s0  }
0x18: {  	s0 =	sld [smem:$0x3F9E];
	_ =	swait.ge [sflag:s4], $0x0  }
0x19: {  	s7 =	sld [smem:$0x3F9F]  }
0x1a: {  	s8 =	sadd.s32 $0xFFFFE003, lr  }
0x1b: {  	s9 =	sadd.s32 $0xFFFFFEF7, lr;
	s5 =	simm.s32 $0xFFFFFFFF;
	p2 =	slt.u32 s8, $0xFFFFF086  }
0x1c: {  	p1 =	slt.u32 s9, $0xF7A;
	s5 =	simm.s32 @!p2 $0x0  }
0x1d: {  	s5 =	simm.s32 @p1 $0x1;
	p0 =	seq.s32 s7, s2  }
0x1e: {  	s7 =	smul.u32 @!p0 $0xF7A, s2;
	p2 =	seq.s32 @!p0 s5, $0x0  }
0x1f: {  	s9 =	smul.u32 $0xF7A, s1;
	s8 =	simm.s32 @!p0 $0x1BF5;
	p2 =	por !p2, p0  }
0x20: {  	[sflag:s8] =	ssyncset.s32 @!p0 $0xFFFFF086;
	s6 =	sadd.s32 @!p0 s3, s7;
	s7 =	simm.s32 @!p0 $0x108  }
0x21: {  	s3 =	sadd.s32 s3, s9;
	s6 =	sadd.s32 @!p0 $0x88, s6;
	s7 =	simm.s32 @p2 $0x1082  }
0x22: {  	[simem:s7], [sflag:s8] =	dma.local @!p0 [hbm:s6], $0xF7A  }
0x23: {  	s9 =	sor.u32 $0xD0000000, s2;
	s6 =	simm.s32 $0x108;
	_ =	swait.ge @!p0 [sflag:s8], $0x0  }
0x24: {  	s3 =	sadd.s32 $0x88, s3;
	s6 =	simm.s32 @!p1 $0x1082;
	[sflag:s4] =	ssyncset.s32 $0xFFFFF086  }
0x25: {  	[simem:s6], [sflag:s4] =	dma.local [hbm:s3], $0xF7A  }
0x26: {  	[smem:$0x3F9F] =	sst s1;
	(tag) =	ssettag s2;
	_ =	strace s9  }
0x27: {  	s1 =	sld [smem:$0x3FAF]  }
0x28: {  	s2 =	sld [smem:$0x3FB0]  }
0x29: {  	s4 =	sld [smem:$0x3FB2]  }
0x2a: {  	p0 =	seq.s32 s5, $0x0;
	s5 =	sld [smem:$0x3FB3]  }
0x2b: {  	s6 =	sld [smem:$0x3FB4]  }
0x2c: {  	s7 =	sld [smem:$0x3FB5]  }
0x2d: {  	s3 =	simm.s32 $0x108;
	s8 =	sld [smem:$0x3FB6]  }
0x2e: {  	s3 =	simm.s32 @!p0 $0x1082;
	s9 =	sld [smem:$0x3FB7]  }
0x2f: {  	lr =	sadd.s32 s0, s3;
	s0 =	sld [smem:$0x3FAE]  }
0x30: {  	s3 =	sld [smem:$0x3FB1]  }
0x31: {  	[smem:$0x3FBA] =	sst s10  }
0x32: {  	s10 =	sld [smem:$0x3FB8];
	_ =	sdelay $0x3  }
0x33: {  	p0 =	seq.s32 s10, $0x1;
	s10 =	sld [smem:$0x3FBA];
	_ =	sdelay $0x3  }
0x34: {  	[smem:$0x3FBA] =	sst s10  }
0x35: {  	s10 =	sld [smem:$0x3FB9];
	_ =	sdelay $0x3  }
0x36: {  	p1 =	seq.s32 s10, $0x1;
	s10 =	sld [smem:$0x3FBA];
	_ =	sdelay $0x3  }
0x37: {  	[smem:$0x3FBA] =	sst s10  }
0x38: {  	s10 =	sld [smem:$0x3FBB]  }
0x39: {  	_ = 	snop;
	(pc) =	sbr.ind lr, $3  }
0x3a: {  	_ = 	snop  }
0x3b: {  	_ = 	snop  }
0x3c: {  	p2 =	seq.s32 s10, $0x1;
	s10 =	sld [smem:$0x3FBA]  }
0x3d: {  	_ =	shalt  }
0x3e: {  	_ =	shalt  }
0x3f: {  	_ =	shalt  }
0x40: {  	_ =	shalt  }
0x41: {  	_ =	shalt  }
0x42: {  	_ =	shalt  }
0x43: {  	_ =	shalt  }
0x44: {  	_ =	shalt  }
0x45: {  	_ =	shalt  }
0x46: {  	_ =	shalt  }
0x47: {  	_ =	shalt  }
0x48: {  	_ =	shalt  }
0x49: {  	_ =	shalt  }
0x4a: {  	_ =	shalt  }
0x4b: {  	_ =	shalt  }
0x4c: {  	_ =	shalt  }
0x4d: {  	_ =	shalt  }
0x4e: {  	_ =	shalt  }
0x4f: {  	_ =	shalt  }
0x50: {  	_ =	shalt  }
0x51: {  	_ =	shalt  }
0x52: {  	_ =	shalt  }
0x53: {  	_ =	shalt  }
0x54: {  	_ =	shalt  }
0x55: {  	_ =	shalt  }
0x56: {  	_ =	shalt  }
0x57: {  	_ =	shalt  }
0x58: {  	_ =	shalt  }
0x59: {  	_ =	shalt  }
0x5a: {  	_ =	shalt  }
0x5b: {  	_ =	shalt  }
0x5c: {  	_ =	shalt  }
0x5d: {  	_ =	shalt  }
0x5e: {  	_ =	shalt  }
0x5f: {  	_ =	shalt  }
0x60: {  	_ =	shalt  }
0x61: {  	_ =	shalt  }
0x62: {  	_ =	shalt  }
0x63: {  	_ =	shalt  }
0x64: {  	_ =	shalt  }
0x65: {  	_ =	shalt  }
0x66: {  	_ =	shalt  }
0x67: {  	_ =	shalt  }
0x68: {  	_ =	shalt  }
0x69: {  	_ =	shalt  }
0x6a: {  	_ =	shalt  }
0x6b: {  	_ =	shalt  }
0x6c: {  	_ =	shalt  }
0x6d: {  	_ =	shalt  }
0x6e: {  	_ =	shalt  }
0x6f: {  	_ =	shalt  }
0x70: {  	_ =	shalt  }
0x71: {  	_ =	shalt  }
0x72: {  	_ =	shalt  }
0x73: {  	_ =	shalt  }
0x74: {  	_ =	shalt  }
0x75: {  	_ =	shalt  }
0x76: {  	_ =	shalt  }
0x77: {  	_ =	shalt  }
0x78: {  	_ =	shalt  }
0x79: {  	_ =	shalt  }
0x7a: {  	_ =	shalt  }
0x7b: {  	_ =	shalt  }
0x7c: {  	_ =	shalt  }
0x7d: {  	_ =	shalt  }
0x7e: {  	_ =	shalt  }
0x7f: {  	_ =	shalt  }
0x80: {  	_ =	shalt  }
0x81: {  	_ =	shalt  }
0x82: {  	_ =	shalt  }
0x83: {  	_ =	shalt  }
0x84: {  	_ =	shalt  }
0x85: {  	_ =	shalt  }
0x86: {  	_ =	shalt  }
0x87: {  	_ =	shalt  }
.Lfunc_end0:
.L_simem_size_0:
called_computation.2_lowered:
.L_overlay_start_0:
0x88: {  	s2 =	sld [smem:$0x3FD9]  }
0x89: {  	s3 =	sld [smem:$0x3FFE];
	_ =	sdelay $0x1  }
0x8a: {  	s1 =	srdreg.scid  }
0x8b: {  	s0 =	sand.u32 $0x1, s1  }
0x8c: {  	s17 =	sshll.u32 s0, $0xA;
	s2 =	sadd.s32 s3, s2  }
0x8d: {  	s2 =	sadd.s32 s2, s17  }
0x8e: {  	[smem:$0x3FC6] =	sst s2  }
0x8f: {  	_ = 	snop  }
0x90: {  	s2 =	sld [smem:$0x3FD0];
	(tm) =	ssettm $0x1  }
0x91: {  	s18 =	sld [smem:$0x3FFB];
	_ =	sdelay $0x3  }
0x92: {  	_ =	strace s18  }
0x93: {  	s3 =	sld [smem:$0x3FFC];
	_ =	sdelay $0x3  }
0x94: {  	_ =	strace s3  }
0x95: {  	s3 =	sld [smem:$0x3FFD];
	_ =	sdelay $0x3  }
0x96: {  	_ =	strace s3  }
0x97: {  	_ =	strace $0x8FFFFFFF  }
0x98: {  	s19 =	sld [smem:$0x3FDB];
	_ =	sdelay $0x1  }
0x99: {  	s4 =	simm.s32 $_scs_section_size  }
0x9a: {  	s5 =	simm.s32 $_size__tile_overlayer_lowered;
	s6 =	simm.s32 $_tile_overlayer_lowered  }
0x9b: {  	s22 =	simm.s32 $0x1BFF;
	s21 =	sshll.u32 s6, $0x1;
	s3 =	sadd.s32 s4, s19  }
0x9c: {  	s7 =	simm.s32 $0x0;
	s20 =	sshll.u32 s5, $0x1;
	s5 =	sadd.s32 s21, s3  }
0x9d: {  	[timem:s7], [sflag:s22] =	dma.local [hbm:s5], s20  }
0x9e: {  	_ =	swait.ge [sflag:s22], s20  }
0x9f: {  	s4 =	ssub.s32 $0x0, s20;
	[sflag:s22] =	ssyncset.done $0x0  }
0xa0: {  	[sflag:s22] =	ssyncadd.s32 s4;
	_ =	sdelay $0x1  }
0xa1: {  	s23 =	simm.s32 $0x1B8B  }
0xa2: {  	_ =	swait.ge [sflag:s23], $0x1  }
0xa3: {  	[sflag:s23] =	ssyncset.done $0x0  }
0xa4: {  	s25 =	simm.s32 $0x1B8E;
	s24 =	sld [smem:$0x3FFE];
	[sflag:s23] =	ssyncadd.s32 $0xFFFFFFFF  }
0xa5: {  	s26 =	simm.s32 $execute0_lowered;
	[smem:$0x3FD2] =	sst s25  }
0xa6: {  	s5 =	sshll.u32 s26, $0x1;
	_ =	strace $0x8000004C;
	[dreg:$0x1] =	wrdreg $0xFFFFFFFF  }
0xa7: {  	s28 =	simm.s32 $_size_execute0_lowered;
	s3 =	sadd.s32 s3, s5;
	[dreg:$0x0] =	wrdreg $0x0  }
0xa8: {  	s5 =	sshll.u32 s28, $0x1;
	[dreg:$0x2] =	wrdreg s3  }
0xa9: {  	[dreg:$0x3] =	wrdreg s5  }
0xaa: {  	[dreg:$0x4] =	wrdreg $0xC0  }
0xab: {  	_ =	task [dreg:s7], $0x5FFFF  }
0xac: {  	[dreg:$0x1] =	wrdreg $0xFFFFFFFF  }
0xad: {  	[dreg:$0x0] =	wrdreg $0x60  }
0xae: {  	[dreg:$0x2] =	wrdreg s24  }
0xaf: {  	[dreg:$0x3] =	wrdreg s2  }
0xb0: {  	[dreg:$0x4] =	wrdreg $0x9  }
0xb1: {  	_ =	task.clear_ibuf [dreg:s7], $0x5FFFF;
	_ =	strace $0x9000004C  }
0xb2: {  	s29 =	simm.s32 $0x9;
	_ =	strace $0x8000004E  }
0xb3: {  	_ =	swait.ge [sflag:s29], $0x1  }
0xb4: {  	[sflag:s29] =	ssyncadd.s32 $0xFFFFFFFF  }
0xb5: {  	_ =	strace $0x9000004E  }
0xb6: {  	_ =	sfence  }
0xb7: {  	s30 =	sld [smem:$0x0];
	_ =	sdelay $0x2  }
0xb8: {  	s31 =	sshll.u32 s1, $0xD;
	s1 =	sshrl.u32 s1, $0x2  }
0xb9: {  	s3 =	sand.u32 $0x4000, s31;
	s1 =	sadd.s32 s1, s30  }
0xba: {  	s0 =	sor.u32 s3, s0;
	s1 =	sshll.u32 s1, $0x11  }
0xbb: {  	s0 =	sor.u32 s1, s0  }
0xbc: {  	s0 =	sadd.s32 $0x8F2B, s0  }
0xbd: {  	[sflag:s0] =	ssyncadd.remote.s32 $0x1  }
0xbe: {  	_ =	sfence.sel $0xFFFF  }
0xbf: {  	[dreg:$0x0] =	wrdreg $0xFFFFFFFF;
	(pc) =	sbr.abs _section_cstart, $3  }
0xc0: {  	[dreg:$0x1] =	wrdreg $0xFFFFFFFF  }
0xc1: {  	_ =	task.clear_ibuf [dreg:s7], $0x2FFFF;
	_ =	strace $0x9FFFFFFF  }
0xc2: {  	(tm) =	ssettm $0x7FFFFFFF  }
0xc3: {  	_ =	shalt  }
tec
execute0_lowered:
.L_overlay_start_1:
0x0: {  	(tag) =	ssettag $0x1  }
0x1: {  	s0 =	srdreg.scid  }
0x2: {  	s1 =	rddreg [dreg:$0x0];
	s2 =	stileid.u32  }
0x3: {  	s5 =	rddreg [dreg:$0x1];
	s8 =	simm.s32 $0x80;
	s9 =	simm.s32 $0xB000  }
0x4: {  	s10 =	simm.s32 $0xC000;
	s11 =	simm.s32 $0x5E;
	s13 =	simm.s32 $0xD000  }
0x5: {  	s15 =	simm.s32 $0xDBC0;
	s17 =	simm.s32 $0xEBC0;
	s18 =	simm.s32 $0x260  }
0x6: {  	s19 =	simm.s32 $0xFBC0;
	s20 =	simm.s32 $0x2C0;
	s21 =	simm.s32 $0x10780  }
0x7: {  	s22 =	simm.s32 $0x340;
	s23 =	simm.s32 $0x11780;
	s24 =	simm.s32 $0x3C0  }
0x8: {  	s25 =	simm.s32 $0x12780;
	s26 =	simm.s32 $0x1;
	s28 =	simm.s32 $0x13340  }
0x9: {  	s29 =	simm.s32 $0x2;
	s30 =	simm.s32 $0x3;
	s0 =	sand.u32 $0x1, s0  }
0xa: {  	s31 =	simm.s32 $0x0;
	s3 =	sshll.u32 s2, $0x8;
	s4 =	sshll.u32 s0, $0x7  }
0xb: {  	s2 =	simm.s32 $0x0;
	s0 =	ssub.s32 $0x2, s0;
	s3 =	sor.u32 s4, s3  }
0xc: {  	v0 =	vlaneseq.u32;
	[smem:$0x7FF] =	sst s2;
	s6 =	sshrl.u32 s0, $0x1;
	s4 =	smul.u32 $0x2C, s3  }
0xd: {  	v0 =	vmul.u32 $0x2, v0;
	_ =	strace $0x8000004D;
	s7 =	smul.u32 $0x7, s3;
	s0 =	ssub.s32 s0, s6  }
0xe: {  	s3 =	sadd.s32 $0x1400, s1;
	s6 =	smax.u32 s0, $0x1;
	s1 =	sadd.s32 s4, s1  }
0xf: {  	v1 =	vor.u32 $0x1, v0;
	v2 =	vor.u32 $0x20, v0;
	v3 =	vor.u32 $0x21, v0;
	s5 =	sadd.s32 s5, s7;
	s7 =	simm.s32 $0x4;
	s4 =	sadd.s32 $0x30E800, s1  }
.LBB2_1:
0x10: {  	[tilespmem:s2], [sflag:$0x4] =	stream.linear.gather [hbm4b:s4+s2], $0xB000, $0x38;
	[tilespmem:$0x14F40] =	vst v63  }
0x11: {  	_ =	swait.ge [sflag:s7], $0xB000  }
0x12: {  	[sflag:s7] =	ssyncset.done $0x0  }
0x13: {  	[sflag:s7] =	ssyncadd.s32 $0xFFFF5000  }
0x14: {  	[tilespmem:s9], [sflag:$0x1] =	stream.indirect.gather [hbm4b:s3+s8], $0x20, s2, s8, $0xb8;
	[tilespmem:$0x14F40] =	vst v63  }
0x15: {  	_ = 	snop  }
0x16: {  	[tilespmem:s10], [sflag:$0x1] =	stream.indirect.gather [hbm4b:s3+s8], $0x20, s8, s8, $0xb8;
	[tilespmem:$0x14F40] =	vst v63  }
0x17: {  	s0 =	simm.s32 $0x100  }
0x18: {  	[tilespmem:s13], [sflag:$0x1] =	stream.indirect.gather [hbm4b:s3+s11], $0x20, s0, s11, $0xb8;
	[tilespmem:$0x14F40] =	vst v63  }
0x19: {  	s14 =	simm.s32 $0x160  }
0x1a: {  	[tilespmem:s15], [sflag:$0x2] =	stream.indirect.gather [hbm4b:s3+s8], $0x20, s14, s8, $0xb8;
	[tilespmem:$0x14F40] =	vst v63  }
0x1b: {  	s16 =	simm.s32 $0x1E0  }
0x1c: {  	[tilespmem:s17], [sflag:$0x2] =	stream.indirect.gather [hbm4b:s3+s8], $0x20, s16, s8, $0xb8;
	[tilespmem:$0x14F40] =	vst v63  }
0x1d: {  	_ = 	snop  }
0x1e: {  	[tilespmem:s19], [sflag:$0x2] =	stream.indirect.gather [hbm4b:s3+s11], $0x20, s18, s11, $0xb8;
	[tilespmem:$0x14F40] =	vst v63  }
0x1f: {  	_ = 	snop  }
0x20: {  	[tilespmem:s21], [sflag:$0x3] =	stream.indirect.gather [hbm4b:s3+s8], $0x20, s20, s8, $0xb8;
	[tilespmem:$0x14F40] =	vst v63  }
0x21: {  	_ = 	snop  }
0x22: {  	[tilespmem:s23], [sflag:$0x3] =	stream.indirect.gather [hbm4b:s3+s8], $0x20, s22, s8, $0xb8;
	[tilespmem:$0x14F40] =	vst v63  }
0x23: {  	s1 =	simm.s32 $0x0  }
0x24: {  	[tilespmem:s25], [sflag:$0x3] =	stream.indirect.gather [hbm4b:s3+s11], $0x20, s24, s11, $0xb8;
	[tilespmem:$0x14F40] =	vst v63  }
.LBB2_2:
0x25: {  	_ =	swait.ge [sflag:s26], $0x2BC0  }
0x26: {  	[sflag:s26] =	ssyncset.done $0x0  }
0x27: {  	s0 =	simm.s32 $0x0;
	[sflag:s26] =	ssyncadd.s32 $0xFFFFD440  }
0x28: {  	v4 =	vld [tilespmem:s0+$0xB060]  }
0x29: {  	v5 =	vld [tilespmem:s0+$0xB070]  }
0x2a: {  	v7 =	vld [tilespmem:s0+$0xB080]  }
0x2b: {  	v8 =	vld [tilespmem:s0+$0xB020]  }
0x2c: {  	v6 =	vimm.f32 $0.0e+00;
	v19 =	vld [tilespmem:s0+$0xB030]  }
0x2d: {  	v12 =	vimm.f32 $0.0e+00;
	v9 =	vimm.f32 $0.0e+00;
	v13 =	vimm.f32 $0.0e+00;
	v20 =	vld [tilespmem:s0+$0xB040]  }
0x2e: {  	v10 =	vimm.f32 $0.0e+00;
	v11 =	vimm.f32 $0.0e+00;
	v16 =	vunpack.i.u.bf16.f32 v4  }
0x2f: {  	v21 =	vld [tilespmem:s0+$0xB000];
	v17 =	vunpack.i.l.bf16.f32 v4;
	v14 =	vunpack.i.u.bf16.f32 v5;
	v15 =	vunpack.i.l.bf16.f32 v5  }
0x30: {  	v4 =	vunpack.i.u.bf16.f32 v7;
	v22 =	vunpack.i.u.bf16.f32 v8;
	v23 =	vunpack.i.l.bf16.f32 v8  }
0x31: {  	s12 =	simm.s32 $0x280;
	v18 =	vld [tilespmem:s0+$0xB010];
	v5 =	vunpack.i.l.bf16.f32 v7;
	v7 =	vimm.f32 $0.0e+00;
	v8 =	vimm.f32 $0.0e+00  }
.LBB2_3:
0x32: {  	p0 =	sne.s32 s12, $0xAC80;
	v24 =	vunpack.i.u.bf16.f32 v19;
	v19 =	vunpack.i.l.bf16.f32 v19;
	v25 =	vunpack.i.u.bf16.f32 v20  }
0x33: {  	v6 =	vadd.f32 v23, v6;
	v12 =	vadd.f32 v22, v12;
	v20 =	vunpack.i.l.bf16.f32 v20;
	v22 =	vld [tilespmem:s0+$0xB050]  }
0x34: {  	v7 =	vadd.f32 v19, v7;
	v8 =	vadd.f32 v24, v8;
	v23 =	vunpack.i.u.bf16.f32 v21  }
0x35: {  	v19 =	vunpack.i.l.bf16.f32 v21;
	v6 =	vadd.f32 v17, v6;
	v12 =	vadd.f32 v16, v12;
	v16 =	vld [tilespmem:s0+$0xB090];
	s0 =	sshra.s32 s12, $0x2  }
0x36: {  	v7 =	vadd.f32 v15, v7;
	v8 =	vadd.f32 v14, v8;
	v17 =	vld [tilespmem:s0+$0xB060];
	v21 =	vunpack.i.u.bf16.f32 v18  }
0x37: {  	v9 =	vadd.f32 v19, v9;
	v13 =	vadd.f32 v23, v13;
	v14 =	vunpack.i.l.bf16.f32 v18;
	v15 =	vld [tilespmem:s0+$0xB070]  }
0x38: {  	v10 =	vadd.f32 v14, v10;
	v11 =	vadd.f32 v21, v11;
	v24 =	vld [tilespmem:s0+$0xB080];
	v14 =	vunpack.i.u.bf16.f32 v22  }
0x39: {  	v9 =	vadd.f32 v20, v9;
	v13 =	vadd.f32 v25, v13;
	v18 =	vunpack.i.l.bf16.f32 v22;
	v23 =	vld [tilespmem:s0+$0xB020]  }
0x3a: {  	v10 =	vadd.f32 v18, v10;
	v11 =	vadd.f32 v14, v11;
	v19 =	vld [tilespmem:s0+$0xB030];
	v14 =	vunpack.i.u.bf16.f32 v16  }
.Ltmp0:
0x3b: {  	v9 =	vadd.f32 v5, v9;
	v13 =	vadd.f32 v4, v13;
	v16 =	vunpack.i.l.bf16.f32 v16;
	v20 =	vld [tilespmem:s0+$0xB040];
	(pc) =	sbr.rel @p0 .LBB2_3-.Ltmp0, $4  }
0x3c: {  	v10 =	vadd.f32 v16, v10;
	v11 =	vadd.f32 v14, v11  }
0x3d: {  	v16 =	vunpack.i.u.bf16.f32 v17;
	v17 =	vunpack.i.l.bf16.f32 v17;
	v21 =	vld [tilespmem:s0+$0xB000]  }
0x3e: {  	v14 =	vunpack.i.u.bf16.f32 v15;
	v15 =	vunpack.i.l.bf16.f32 v15;
	v4 =	vunpack.i.u.bf16.f32 v24  }
0x3f: {  	s12 =	sadd.s32 $0x280, s12;
	v5 =	vunpack.i.l.bf16.f32 v24;
	v22 =	vunpack.i.u.bf16.f32 v23;
	v23 =	vunpack.i.l.bf16.f32 v23;
	v18 =	vld [tilespmem:s0+$0xB010]  }
0x40: {  	v24 =	vunpack.i.u.bf16.f32 v19  }
0x41: {  	v19 =	vunpack.i.l.bf16.f32 v19;
	v6 =	vadd.f32 v23, v6;
	v12 =	vadd.f32 v22, v12  }
0x42: {  	v25 =	vunpack.i.u.bf16.f32 v20;
	v7 =	vadd.f32 v19, v7;
	v8 =	vadd.f32 v24, v8  }
0x43: {  	v23 =	vld [tilespmem:s0+$0xB050];
	v22 =	vunpack.i.u.bf16.f32 v21;
	v6 =	vadd.f32 v17, v6;
	v12 =	vadd.f32 v16, v12  }
0x44: {  	s12 =	smul.u32 $0x3, s1;
	v19 =	vunpack.i.l.bf16.f32 v21;
	v7 =	vadd.f32 v15, v7;
	v8 =	vadd.f32 v14, v8  }
0x45: {  	v20 =	vunpack.i.l.bf16.f32 v20;
	v17 =	vld [tilespmem:s0+$0xB090];
	v9 =	vadd.f32 v19, v9;
	v13 =	vadd.f32 v22, v13  }
0x46: {  	v15 =	vmov s12;
	v16 =	vunpack.i.u.bf16.f32 v18;
	v14 =	vunpack.i.l.bf16.f32 v18  }
0x47: {  	v10 =	vadd.f32 v14, v10;
	v11 =	vadd.f32 v16, v11;
	v14 =	vmul.u32 $0x38, v15  }
0x48: {  	v15 =	vunpack.i.u.bf16.f32 v23;
	v16 =	vunpack.i.l.bf16.f32 v23;
	v9 =	vadd.f32 v20, v9  }
0x49: {  	v13 =	vadd.f32 v25, v13;
	v10 =	vadd.f32 v16, v10;
	v14 =	vbroadcast v14, $0x0  }
0x4a: {  	v11 =	vadd.f32 v15, v11;
	v15 =	vunpack.i.u.bf16.f32 v17;
	v5 =	vadd.f32 v5, v9  }
0x4b: {  	v9 =	vunpack.i.l.bf16.f32 v17;
	v4 =	vadd.f32 v4, v13;
	v13 =	vadd.s32 v0, v14  }
0x4c: {  	v9 =	vadd.f32 v9, v10;
	v5 =	vadd.f32 v6, v5;
	v6 =	vadd.s32 v1, v14  }
0x4d: {  	v10 =	vadd.f32 v15, v11;
	v4 =	vadd.f32 v12, v4;
	v11 =	vadd.s32 v2, v14  }
0x4e: {  	v5 =	vmul.f32 $2.857142830e-03, v5;
	v7 =	vadd.f32 v7, v9;
	v9 =	vadd.s32 v3, v14  }
0x4f: {  	v4 =	vmul.f32 $2.857142830e-03, v4;
	v8 =	vadd.f32 v8, v10  }
0x50: {  	s14 =	smul.u32 $0x1080, s1;
	[tilespmem:v13+s28+$0x0] =	vst.idx.msk $0xffff, v5;
	v5 =	vmul.f32 $2.857142830e-03, v7  }
0x51: {  	[tilespmem:v6+s28+$0x0] =	vst.idx.msk $0xffff, v4;
	v4 =	vmul.f32 $2.857142830e-03, v8  }
0x52: {  	s0 =	sshra.s32 s14, $0x2;
	[tilespmem:v11+s28+$0x0] =	vst.idx.msk $0x1ff, v5  }
0x53: {  	s14 =	sadd.s32 $0x420, s0;
	[tilespmem:v9+s28+$0x0] =	vst.idx.msk $0x1ff, v4  }
0x54: {  	[tilespmem:s9], [sflag:$0x1] =	stream.indirect.gather [hbm4b:s3+s8], $0x20, s14, s8, $0xb8;
	[tilespmem:$0x14F40] =	vst v63  }
0x55: {  	s16 =	sadd.s32 $0x4A0, s0  }
0x56: {  	[tilespmem:s10], [sflag:$0x1] =	stream.indirect.gather [hbm4b:s3+s8], $0x20, s16, s8, $0xb8;
	[tilespmem:$0x14F40] =	vst v63  }
0x57: {  	s16 =	sadd.s32 $0x520, s0  }
0x58: {  	[tilespmem:s13], [sflag:$0x1] =	stream.indirect.gather [hbm4b:s3+s11], $0x20, s16, s11, $0xb8;
	[tilespmem:$0x14F40] =	vst v63  }
0x59: {  	_ =	swait.ge [sflag:s29], $0x2BC0  }
0x5a: {  	[sflag:s29] =	ssyncset.done $0x0  }
0x5b: {  	s14 =	simm.s32 $0x0;
	[sflag:s29] =	ssyncadd.s32 $0xFFFFD440  }
0x5c: {  	v4 =	vld [tilespmem:s14+$0xDC20]  }
0x5d: {  	v5 =	vld [tilespmem:s14+$0xDC30]  }
0x5e: {  	v7 =	vld [tilespmem:s14+$0xDC40]  }
0x5f: {  	v8 =	vld [tilespmem:s14+$0xDBE0]  }
0x60: {  	v12 =	vimm.f32 $0.0e+00;
	v19 =	vld [tilespmem:s14+$0xDBF0]  }
0x61: {  	v10 =	vimm.f32 $0.0e+00;
	v13 =	vimm.f32 $0.0e+00;
	v6 =	vimm.f32 $0.0e+00;
	v20 =	vld [tilespmem:s14+$0xDC00]  }
0x62: {  	v11 =	vimm.f32 $0.0e+00;
	v9 =	vimm.f32 $0.0e+00;
	v16 =	vunpack.i.u.bf16.f32 v4  }
0x63: {  	v21 =	vld [tilespmem:s14+$0xDBC0];
	v17 =	vunpack.i.l.bf16.f32 v4;
	v14 =	vunpack.i.u.bf16.f32 v5;
	v15 =	vunpack.i.l.bf16.f32 v5  }
0x64: {  	v4 =	vunpack.i.u.bf16.f32 v7;
	v22 =	vunpack.i.u.bf16.f32 v8;
	v23 =	vunpack.i.l.bf16.f32 v8  }
0x65: {  	s16 =	simm.s32 $0x280;
	v18 =	vld [tilespmem:s14+$0xDBD0];
	v5 =	vunpack.i.l.bf16.f32 v7;
	v7 =	vimm.f32 $0.0e+00;
	v8 =	vimm.f32 $0.0e+00  }
.LBB2_5:
0x66: {  	p0 =	sne.s32 s16, $0xAC80;
	v24 =	vunpack.i.u.bf16.f32 v19;
	v19 =	vunpack.i.l.bf16.f32 v19;
	v25 =	vunpack.i.u.bf16.f32 v20  }
0x67: {  	v6 =	vadd.f32 v23, v6;
	v12 =	vadd.f32 v22, v12;
	v20 =	vunpack.i.l.bf16.f32 v20;
	v22 =	vld [tilespmem:s14+$0xDC10]  }
0x68: {  	v7 =	vadd.f32 v19, v7;
	v8 =	vadd.f32 v24, v8;
	v23 =	vunpack.i.u.bf16.f32 v21  }
0x69: {  	v19 =	vunpack.i.l.bf16.f32 v21;
	v6 =	vadd.f32 v17, v6;
	v12 =	vadd.f32 v16, v12;
	v16 =	vld [tilespmem:s14+$0xDC50];
	s14 =	sshra.s32 s16, $0x2  }
0x6a: {  	v7 =	vadd.f32 v15, v7;
	v8 =	vadd.f32 v14, v8;
	v17 =	vld [tilespmem:s14+$0xDC20];
	v21 =	vunpack.i.u.bf16.f32 v18  }
0x6b: {  	v9 =	vadd.f32 v19, v9;
	v13 =	vadd.f32 v23, v13;
	v14 =	vunpack.i.l.bf16.f32 v18;
	v15 =	vld [tilespmem:s14+$0xDC30]  }
0x6c: {  	v10 =	vadd.f32 v14, v10;
	v11 =	vadd.f32 v21, v11;
	v24 =	vld [tilespmem:s14+$0xDC40];
	v14 =	vunpack.i.u.bf16.f32 v22  }
0x6d: {  	v9 =	vadd.f32 v20, v9;
	v13 =	vadd.f32 v25, v13;
	v18 =	vunpack.i.l.bf16.f32 v22;
	v23 =	vld [tilespmem:s14+$0xDBE0]  }
0x6e: {  	v10 =	vadd.f32 v18, v10;
	v11 =	vadd.f32 v14, v11;
	v19 =	vld [tilespmem:s14+$0xDBF0];
	v14 =	vunpack.i.u.bf16.f32 v16  }
.Ltmp1:
0x6f: {  	v9 =	vadd.f32 v5, v9;
	v13 =	vadd.f32 v4, v13;
	v16 =	vunpack.i.l.bf16.f32 v16;
	v20 =	vld [tilespmem:s14+$0xDC00];
	(pc) =	sbr.rel @p0 .LBB2_5-.Ltmp1, $4  }
0x70: {  	v10 =	vadd.f32 v16, v10;
	v11 =	vadd.f32 v14, v11  }
0x71: {  	v16 =	vunpack.i.u.bf16.f32 v17;
	v17 =	vunpack.i.l.bf16.f32 v17;
	v21 =	vld [tilespmem:s14+$0xDBC0]  }
0x72: {  	v14 =	vunpack.i.u.bf16.f32 v15;
	v15 =	vunpack.i.l.bf16.f32 v15;
	v4 =	vunpack.i.u.bf16.f32 v24  }
0x73: {  	s16 =	sadd.s32 $0x280, s16;
	v5 =	vunpack.i.l.bf16.f32 v24;
	v22 =	vunpack.i.u.bf16.f32 v23;
	v23 =	vunpack.i.l.bf16.f32 v23;
	v18 =	vld [tilespmem:s14+$0xDBD0]  }
0x74: {  	v24 =	vunpack.i.u.bf16.f32 v19  }
0x75: {  	v19 =	vunpack.i.l.bf16.f32 v19;
	v6 =	vadd.f32 v23, v6;
	v12 =	vadd.f32 v22, v12  }
0x76: {  	v25 =	vunpack.i.u.bf16.f32 v20;
	v7 =	vadd.f32 v19, v7;
	v8 =	vadd.f32 v24, v8  }
0x77: {  	v23 =	vld [tilespmem:s14+$0xDC10];
	v22 =	vunpack.i.u.bf16.f32 v21;
	v6 =	vadd.f32 v17, v6;
	v12 =	vadd.f32 v16, v12  }
0x78: {  	v19 =	vunpack.i.l.bf16.f32 v21;
	v7 =	vadd.f32 v15, v7;
	v8 =	vadd.f32 v14, v8  }
0x79: {  	v20 =	vunpack.i.l.bf16.f32 v20;
	s16 =	sadd.s32 $0x1, s12;
	v17 =	vld [tilespmem:s14+$0xDC50];
	v9 =	vadd.f32 v19, v9;
	v13 =	vadd.f32 v22, v13  }
0x7a: {  	v15 =	vmov s16;
	v16 =	vunpack.i.u.bf16.f32 v18;
	v14 =	vunpack.i.l.bf16.f32 v18  }
0x7b: {  	v10 =	vadd.f32 v14, v10;
	v11 =	vadd.f32 v16, v11;
	v14 =	vmul.u32 $0x38, v15  }
0x7c: {  	v15 =	vunpack.i.u.bf16.f32 v23;
	v16 =	vunpack.i.l.bf16.f32 v23;
	v9 =	vadd.f32 v20, v9  }
0x7d: {  	v13 =	vadd.f32 v25, v13;
	v10 =	vadd.f32 v16, v10;
	v14 =	vbroadcast v14, $0x0  }
0x7e: {  	v11 =	vadd.f32 v15, v11;
	v15 =	vunpack.i.u.bf16.f32 v17;
	v5 =	vadd.f32 v5, v9  }
0x7f: {  	v9 =	vunpack.i.l.bf16.f32 v17;
	v4 =	vadd.f32 v4, v13;
	v13 =	vadd.s32 v0, v14  }
0x80: {  	v9 =	vadd.f32 v9, v10;
	v5 =	vadd.f32 v6, v5;
	v6 =	vadd.s32 v1, v14  }
0x81: {  	v10 =	vadd.f32 v15, v11;
	v4 =	vadd.f32 v12, v4;
	v11 =	vadd.s32 v2, v14  }
0x82: {  	v5 =	vmul.f32 $2.857142830e-03, v5;
	v7 =	vadd.f32 v7, v9;
	v9 =	vadd.s32 v3, v14  }
0x83: {  	v4 =	vmul.f32 $2.857142830e-03, v4;
	v8 =	vadd.f32 v8, v10  }
0x84: {  	[tilespmem:v13+s28+$0x0] =	vst.idx.msk $0xffff, v5;
	v5 =	vmul.f32 $2.857142830e-03, v7  }
0x85: {  	[tilespmem:v6+s28+$0x0] =	vst.idx.msk $0xffff, v4;
	v4 =	vmul.f32 $2.857142830e-03, v8  }
0x86: {  	[tilespmem:v11+s28+$0x0] =	vst.idx.msk $0x1ff, v5  }
0x87: {  	s16 =	sadd.s32 $0x580, s0;
	[tilespmem:v9+s28+$0x0] =	vst.idx.msk $0x1ff, v4  }
0x88: {  	[tilespmem:s15], [sflag:$0x2] =	stream.indirect.gather [hbm4b:s3+s8], $0x20, s16, s8, $0xb8;
	[tilespmem:$0x14F40] =	vst v63  }
0x89: {  	s16 =	sadd.s32 $0x600, s0  }
0x8a: {  	[tilespmem:s17], [sflag:$0x2] =	stream.indirect.gather [hbm4b:s3+s8], $0x20, s16, s8, $0xb8;
	[tilespmem:$0x14F40] =	vst v63  }
0x8b: {  	s16 =	sadd.s32 $0x680, s0  }
0x8c: {  	[tilespmem:s19], [sflag:$0x2] =	stream.indirect.gather [hbm4b:s3+s11], $0x20, s16, s11, $0xb8;
	[tilespmem:$0x14F40] =	vst v63  }
0x8d: {  	_ =	swait.ge [sflag:s30], $0x2BC0  }
0x8e: {  	[sflag:s30] =	ssyncset.done $0x0  }
0x8f: {  	s14 =	simm.s32 $0x0;
	[sflag:s30] =	ssyncadd.s32 $0xFFFFD440  }
0x90: {  	v4 =	vld [tilespmem:s14+$0x107E0]  }
0x91: {  	v5 =	vld [tilespmem:s14+$0x107F0]  }
0x92: {  	v7 =	vld [tilespmem:s14+$0x10800]  }
0x93: {  	v8 =	vld [tilespmem:s14+$0x107A0]  }
0x94: {  	v12 =	vimm.f32 $0.0e+00;
	v19 =	vld [tilespmem:s14+$0x107B0]  }
0x95: {  	v10 =	vimm.f32 $0.0e+00;
	v13 =	vimm.f32 $0.0e+00;
	v6 =	vimm.f32 $0.0e+00;
	v20 =	vld [tilespmem:s14+$0x107C0]  }
0x96: {  	v11 =	vimm.f32 $0.0e+00;
	v9 =	vimm.f32 $0.0e+00;
	v16 =	vunpack.i.u.bf16.f32 v4  }
0x97: {  	v21 =	vld [tilespmem:s14+$0x10780];
	v17 =	vunpack.i.l.bf16.f32 v4;
	v14 =	vunpack.i.u.bf16.f32 v5;
	v15 =	vunpack.i.l.bf16.f32 v5  }
0x98: {  	v4 =	vunpack.i.u.bf16.f32 v7;
	v22 =	vunpack.i.u.bf16.f32 v8;
	v23 =	vunpack.i.l.bf16.f32 v8  }
0x99: {  	s16 =	simm.s32 $0x280;
	v18 =	vld [tilespmem:s14+$0x10790];
	v5 =	vunpack.i.l.bf16.f32 v7;
	v7 =	vimm.f32 $0.0e+00;
	v8 =	vimm.f32 $0.0e+00  }
.LBB2_7:
0x9a: {  	p0 =	sne.s32 s16, $0xAC80;
	v24 =	vunpack.i.u.bf16.f32 v19;
	v19 =	vunpack.i.l.bf16.f32 v19;
	v25 =	vunpack.i.u.bf16.f32 v20  }
0x9b: {  	v6 =	vadd.f32 v23, v6;
	v12 =	vadd.f32 v22, v12;
	v20 =	vunpack.i.l.bf16.f32 v20;
	v22 =	vld [tilespmem:s14+$0x107D0]  }
0x9c: {  	v7 =	vadd.f32 v19, v7;
	v8 =	vadd.f32 v24, v8;
	v23 =	vunpack.i.u.bf16.f32 v21  }
0x9d: {  	v19 =	vunpack.i.l.bf16.f32 v21;
	v6 =	vadd.f32 v17, v6;
	v12 =	vadd.f32 v16, v12;
	v16 =	vld [tilespmem:s14+$0x10810];
	s14 =	sshra.s32 s16, $0x2  }
0x9e: {  	v7 =	vadd.f32 v15, v7;
	v8 =	vadd.f32 v14, v8;
	v17 =	vld [tilespmem:s14+$0x107E0];
	v21 =	vunpack.i.u.bf16.f32 v18  }
0x9f: {  	v9 =	vadd.f32 v19, v9;
	v13 =	vadd.f32 v23, v13;
	v14 =	vunpack.i.l.bf16.f32 v18;
	v15 =	vld [tilespmem:s14+$0x107F0]  }
0xa0: {  	v10 =	vadd.f32 v14, v10;
	v11 =	vadd.f32 v21, v11;
	v24 =	vld [tilespmem:s14+$0x10800];
	v14 =	vunpack.i.u.bf16.f32 v22  }
0xa1: {  	v9 =	vadd.f32 v20, v9;
	v13 =	vadd.f32 v25, v13;
	v18 =	vunpack.i.l.bf16.f32 v22;
	v23 =	vld [tilespmem:s14+$0x107A0]  }
0xa2: {  	v10 =	vadd.f32 v18, v10;
	v11 =	vadd.f32 v14, v11;
	v19 =	vld [tilespmem:s14+$0x107B0];
	v14 =	vunpack.i.u.bf16.f32 v16  }
.Ltmp2:
0xa3: {  	v9 =	vadd.f32 v5, v9;
	v13 =	vadd.f32 v4, v13;
	v16 =	vunpack.i.l.bf16.f32 v16;
	v20 =	vld [tilespmem:s14+$0x107C0];
	(pc) =	sbr.rel @p0 .LBB2_7-.Ltmp2, $4  }
0xa4: {  	v10 =	vadd.f32 v16, v10;
	v11 =	vadd.f32 v14, v11  }
0xa5: {  	v16 =	vunpack.i.u.bf16.f32 v17;
	v17 =	vunpack.i.l.bf16.f32 v17;
	v21 =	vld [tilespmem:s14+$0x10780]  }
0xa6: {  	v14 =	vunpack.i.u.bf16.f32 v15;
	v15 =	vunpack.i.l.bf16.f32 v15;
	v4 =	vunpack.i.u.bf16.f32 v24  }
0xa7: {  	s16 =	sadd.s32 $0x280, s16;
	v5 =	vunpack.i.l.bf16.f32 v24;
	v22 =	vunpack.i.u.bf16.f32 v23;
	v23 =	vunpack.i.l.bf16.f32 v23;
	v18 =	vld [tilespmem:s14+$0x10790]  }
0xa8: {  	v24 =	vunpack.i.u.bf16.f32 v19  }
0xa9: {  	v45 =	vunpack.i.l.bf16.f32 v19;
	v25 =	vunpack.i.u.bf16.f32 v20;
	v6 =	vadd.f32 v23, v6  }
0xaa: {  	v12 =	vadd.f32 v22, v12;
	v46 =	vunpack.i.l.bf16.f32 v20;
	s12 =	sadd.s32 $0x2, s12;
	v7 =	vadd.f32 v45, v7  }
0xab: {  	v48 =	vld [tilespmem:s14+$0x107D0];
	v8 =	vadd.f32 v24, v8;
	v53 =	vmov s12;
	v47 =	vunpack.i.u.bf16.f32 v21  }
0xac: {  	v51 =	vld [tilespmem:s14+$0x10810];
	v49 =	vunpack.i.l.bf16.f32 v21;
	v6 =	vadd.f32 v17, v6;
	v12 =	vadd.f32 v16, v12  }
0xad: {  	v54 =	vmul.u32 $0x38, v53;
	v7 =	vadd.f32 v15, v7;
	v8 =	vadd.f32 v14, v8  }
0xae: {  	v9 =	vadd.f32 v49, v9;
	v13 =	vadd.f32 v47, v13;
	v52 =	vunpack.i.l.bf16.f32 v18  }
0xaf: {  	v50 =	vunpack.i.u.bf16.f32 v18;
	v14 =	vbroadcast v54, $0x0;
	v10 =	vadd.f32 v52, v10  }
0xb0: {  	v11 =	vadd.f32 v50, v11;
	v55 =	vunpack.i.u.bf16.f32 v48;
	v9 =	vadd.f32 v46, v9  }
0xb1: {  	v56 =	vunpack.i.l.bf16.f32 v48;
	v13 =	vadd.f32 v25, v13;
	v57 =	vunpack.i.u.bf16.f32 v51  }
0xb2: {  	v58 =	vunpack.i.l.bf16.f32 v51;
	v10 =	vadd.f32 v56, v10;
	v5 =	vadd.f32 v5, v9  }
0xb3: {  	v59 =	vadd.s32 v0, v14;
	v11 =	vadd.f32 v55, v11;
	v4 =	vadd.f32 v4, v13  }
0xb4: {  	v60 =	vadd.s32 v1, v14;
	v9 =	vadd.f32 v58, v10;
	v5 =	vadd.f32 v6, v5  }
0xb5: {  	v62 =	vadd.s32 v2, v14;
	v61 =	vadd.f32 v57, v11;
	v4 =	vadd.f32 v12, v4  }
0xb6: {  	p0 =	seq.s32 s1, $0x29;
	v63 =	vadd.s32 v3, v14;
	v5 =	vmul.f32 $2.857142830e-03, v5;
	v7 =	vadd.f32 v7, v9  }
.Ltmp3:
0xb7: {  	v4 =	vmul.f32 $2.857142830e-03, v4;
	v8 =	vadd.f32 v8, v61;
	(pc) =	sbr.rel @p0 .LBB2_10-.Ltmp3, $4  }
0xb8: {  	[tilespmem:v59+s28+$0x0] =	vst.idx.msk $0xffff, v5;
	v5 =	vmul.f32 $2.857142830e-03, v7  }
0xb9: {  	[tilespmem:v60+s28+$0x0] =	vst.idx.msk $0xffff, v4;
	v4 =	vmul.f32 $2.857142830e-03, v8  }
0xba: {  	[tilespmem:v62+s28+$0x0] =	vst.idx.msk $0x1ff, v5  }
0xbb: {  	[tilespmem:v63+s28+$0x0] =	vst.idx.msk $0x1ff, v4  }
0xbc: {  	s12 =	sadd.s32 $0x6E0, s0  }
0xbd: {  	[tilespmem:s21], [sflag:$0x3] =	stream.indirect.gather [hbm4b:s3+s8], $0x20, s12, s8, $0xb8;
	[tilespmem:$0x14F40] =	vst v63  }
.Ltmp4:
0xbe: {  	_ = 	snop;
	(pc) =	sbr.rel .LBB2_2-.Ltmp4, $4  }
0xbf: {  	s14 =	sadd.s32 $0x760, s0  }
0xc0: {  	[tilespmem:s23], [sflag:$0x3] =	stream.indirect.gather [hbm4b:s3+s8], $0x20, s14, s8, $0xb8;
	[tilespmem:$0x14F40] =	vst v63  }
0xc1: {  	s16 =	sadd.s32 $0x7E0, s0;
	s1 =	sadd.s32 $0x1, s1  }
0xc2: {  	[tilespmem:s25], [sflag:$0x3] =	stream.indirect.gather [hbm4b:s3+s11], $0x20, s16, s11, $0xb8;
	[tilespmem:$0x14F40] =	vst v63  }
.LBB2_10:
0xc3: {  	_ =	swait.ge [sflag:s26], $0x2BC0  }
0xc4: {  	[sflag:s26] =	ssyncset.done $0x0  }
0xc5: {  	s0 =	simm.s32 $0x0;
	[sflag:s26] =	ssyncadd.s32 $0xFFFFD440  }
0xc6: {  	v4 =	vld [tilespmem:s0+$0xB060]  }
0xc7: {  	v5 =	vld [tilespmem:s0+$0xB070]  }
0xc8: {  	v7 =	vld [tilespmem:s0+$0xB080]  }
0xc9: {  	v8 =	vld [tilespmem:s0+$0xB020]  }
0xca: {  	v6 =	vimm.f32 $0.0e+00;
	v20 =	vld [tilespmem:s0+$0xB030]  }
0xcb: {  	v9 =	vimm.f32 $0.0e+00;
	v10 =	vimm.f32 $0.0e+00;
	v13 =	vimm.f32 $0.0e+00;
	v21 =	vld [tilespmem:s0+$0xB040]  }
0xcc: {  	v11 =	vimm.f32 $0.0e+00;
	v12 =	vimm.f32 $0.0e+00;
	v15 =	vunpack.i.u.bf16.f32 v4  }
0xcd: {  	v19 =	vld [tilespmem:s0+$0xB000];
	v17 =	vunpack.i.l.bf16.f32 v4;
	v14 =	vunpack.i.u.bf16.f32 v5;
	v16 =	vunpack.i.l.bf16.f32 v5  }
0xce: {  	v4 =	vunpack.i.u.bf16.f32 v7;
	v22 =	vunpack.i.u.bf16.f32 v8;
	v23 =	vunpack.i.l.bf16.f32 v8  }
0xcf: {  	s1 =	simm.s32 $0x280;
	v18 =	vld [tilespmem:s0+$0xB010];
	v5 =	vunpack.i.l.bf16.f32 v7;
	v8 =	vimm.f32 $0.0e+00;
	v7 =	vimm.f32 $0.0e+00  }
.LBB2_11:
0xd0: {  	p0 =	sne.s32 s1, $0xAC80;
	v24 =	vunpack.i.u.bf16.f32 v20;
	v20 =	vunpack.i.l.bf16.f32 v20;
	v25 =	vunpack.i.u.bf16.f32 v21  }
0xd1: {  	v6 =	vadd.f32 v23, v6;
	v8 =	vadd.f32 v22, v8;
	v21 =	vunpack.i.l.bf16.f32 v21;
	v22 =	vld [tilespmem:s0+$0xB050]  }
0xd2: {  	v9 =	vadd.f32 v20, v9;
	v7 =	vadd.f32 v24, v7;
	v23 =	vunpack.i.u.bf16.f32 v19  }
0xd3: {  	v19 =	vunpack.i.l.bf16.f32 v19;
	v6 =	vadd.f32 v17, v6;
	v8 =	vadd.f32 v15, v8;
	v15 =	vld [tilespmem:s0+$0xB090];
	s0 =	sshra.s32 s1, $0x2  }
0xd4: {  	v9 =	vadd.f32 v16, v9;
	v7 =	vadd.f32 v14, v7;
	v17 =	vld [tilespmem:s0+$0xB060];
	v20 =	vunpack.i.u.bf16.f32 v18  }
0xd5: {  	v10 =	vadd.f32 v19, v10;
	v13 =	vadd.f32 v23, v13;
	v14 =	vunpack.i.l.bf16.f32 v18;
	v16 =	vld [tilespmem:s0+$0xB070]  }
0xd6: {  	v11 =	vadd.f32 v14, v11;
	v12 =	vadd.f32 v20, v12;
	v24 =	vld [tilespmem:s0+$0xB080];
	v14 =	vunpack.i.u.bf16.f32 v22  }
0xd7: {  	v10 =	vadd.f32 v21, v10;
	v13 =	vadd.f32 v25, v13;
	v18 =	vunpack.i.l.bf16.f32 v22;
	v23 =	vld [tilespmem:s0+$0xB020]  }
0xd8: {  	v11 =	vadd.f32 v18, v11;
	v12 =	vadd.f32 v14, v12;
	v20 =	vld [tilespmem:s0+$0xB030];
	v14 =	vunpack.i.u.bf16.f32 v15  }
.Ltmp5:
0xd9: {  	v10 =	vadd.f32 v5, v10;
	v13 =	vadd.f32 v4, v13;
	v15 =	vunpack.i.l.bf16.f32 v15;
	v21 =	vld [tilespmem:s0+$0xB040];
	(pc) =	sbr.rel @p0 .LBB2_11-.Ltmp5, $4  }
0xda: {  	v11 =	vadd.f32 v15, v11;
	v12 =	vadd.f32 v14, v12  }
0xdb: {  	v15 =	vunpack.i.u.bf16.f32 v17;
	v17 =	vunpack.i.l.bf16.f32 v17;
	v19 =	vld [tilespmem:s0+$0xB000]  }
0xdc: {  	v14 =	vunpack.i.u.bf16.f32 v16;
	v16 =	vunpack.i.l.bf16.f32 v16;
	v4 =	vunpack.i.u.bf16.f32 v24  }
0xdd: {  	s1 =	sadd.s32 $0x280, s1;
	v5 =	vunpack.i.l.bf16.f32 v24;
	v22 =	vunpack.i.u.bf16.f32 v23;
	v23 =	vunpack.i.l.bf16.f32 v23;
	v18 =	vld [tilespmem:s0+$0xB010]  }
0xde: {  	v24 =	vunpack.i.u.bf16.f32 v20  }
0xdf: {  	v20 =	vunpack.i.l.bf16.f32 v20;
	v25 =	vunpack.i.u.bf16.f32 v21;
	v6 =	vadd.f32 v23, v6  }
0xe0: {  	v8 =	vadd.f32 v22, v8;
	v21 =	vunpack.i.l.bf16.f32 v21;
	v22 =	vld [tilespmem:s0+$0xB050];
	v9 =	vadd.f32 v20, v9  }
0xe1: {  	v7 =	vadd.f32 v24, v7;
	v20 =	vunpack.i.u.bf16.f32 v19;
	v6 =	vadd.f32 v17, v6  }
0xe2: {  	v17 =	vunpack.i.l.bf16.f32 v19;
	v8 =	vadd.f32 v15, v8;
	v15 =	vld [tilespmem:s0+$0xB090];
	v9 =	vadd.f32 v16, v9  }
0xe3: {  	v7 =	vadd.f32 v14, v7;
	v10 =	vadd.f32 v17, v10;
	v14 =	vunpack.i.l.bf16.f32 v18  }
0xe4: {  	v13 =	vadd.f32 v20, v13;
	v16 =	vunpack.i.u.bf16.f32 v18;
	v11 =	vadd.f32 v14, v11  }
0xe5: {  	v12 =	vadd.f32 v16, v12;
	v14 =	vunpack.i.l.bf16.f32 v22;
	v10 =	vadd.f32 v21, v10  }
0xe6: {  	v16 =	vunpack.i.u.bf16.f32 v22;
	v13 =	vadd.f32 v25, v13;
	v11 =	vadd.f32 v14, v11  }
0xe7: {  	v12 =	vadd.f32 v16, v12;
	v14 =	vunpack.i.u.bf16.f32 v15;
	v5 =	vadd.f32 v5, v10  }
0xe8: {  	v10 =	vunpack.i.l.bf16.f32 v15;
	v4 =	vadd.f32 v4, v13;
	v13 =	vadd.s32 $0x1B90, v0  }
0xe9: {  	v10 =	vadd.f32 v10, v11;
	v5 =	vadd.f32 v6, v5;
	v6 =	vadd.s32 $0x1B91, v0  }
0xea: {  	v11 =	vadd.f32 v14, v12;
	v4 =	vadd.f32 v8, v4;
	v8 =	vadd.s32 $0x1BB0, v0  }
0xeb: {  	v5 =	vmul.f32 $2.857142830e-03, v5;
	v9 =	vadd.f32 v9, v10;
	v10 =	vadd.s32 $0x1BB1, v0  }
0xec: {  	v4 =	vmul.f32 $2.857142830e-03, v4;
	v7 =	vadd.f32 v7, v11  }
0xed: {  	[tilespmem:v13+s28+$0x0] =	vst.idx.msk $0xffff, v5;
	v5 =	vmul.f32 $2.857142830e-03, v9  }
0xee: {  	[tilespmem:v6+s28+$0x0] =	vst.idx.msk $0xffff, v4;
	v4 =	vmul.f32 $2.857142830e-03, v7  }
0xef: {  	[tilespmem:v8+s28+$0x0] =	vst.idx.msk $0x1ff, v5  }
0xf0: {  	[tilespmem:v10+s28+$0x0] =	vst.idx.msk $0x1ff, v4  }
0xf1: {  	_ =	swait.ge [sflag:s29], $0x2BC0  }
0xf2: {  	[sflag:s29] =	ssyncset.done $0x0  }
0xf3: {  	s0 =	simm.s32 $0x0;
	[sflag:s29] =	ssyncadd.s32 $0xFFFFD440  }
0xf4: {  	v4 =	vld [tilespmem:s0+$0xDC20]  }
0xf5: {  	v5 =	vld [tilespmem:s0+$0xDC30]  }
0xf6: {  	v7 =	vld [tilespmem:s0+$0xDC40]  }
0xf7: {  	v8 =	vld [tilespmem:s0+$0xDBE0]  }
0xf8: {  	v12 =	vimm.f32 $0.0e+00;
	v20 =	vld [tilespmem:s0+$0xDBF0]  }
0xf9: {  	v11 =	vimm.f32 $0.0e+00;
	v9 =	vimm.f32 $0.0e+00;
	v13 =	vimm.f32 $0.0e+00;
	v21 =	vld [tilespmem:s0+$0xDC00]  }
0xfa: {  	v6 =	vimm.f32 $0.0e+00;
	v10 =	vimm.f32 $0.0e+00;
	v15 =	vunpack.i.u.bf16.f32 v4  }
0xfb: {  	v19 =	vld [tilespmem:s0+$0xDBC0];
	v17 =	vunpack.i.l.bf16.f32 v4;
	v14 =	vunpack.i.u.bf16.f32 v5;
	v16 =	vunpack.i.l.bf16.f32 v5  }
0xfc: {  	v4 =	vunpack.i.u.bf16.f32 v7;
	v22 =	vunpack.i.u.bf16.f32 v8;
	v23 =	vunpack.i.l.bf16.f32 v8  }
0xfd: {  	s1 =	simm.s32 $0x280;
	v18 =	vld [tilespmem:s0+$0xDBD0];
	v5 =	vunpack.i.l.bf16.f32 v7;
	v8 =	vimm.f32 $0.0e+00;
	v7 =	vimm.f32 $0.0e+00  }
.LBB2_13:
0xfe: {  	p0 =	sne.s32 s1, $0xAC80;
	v24 =	vunpack.i.u.bf16.f32 v20;
	v20 =	vunpack.i.l.bf16.f32 v20;
	v25 =	vunpack.i.u.bf16.f32 v21  }
0xff: {  	v6 =	vadd.f32 v23, v6;
	v8 =	vadd.f32 v22, v8;
	v21 =	vunpack.i.l.bf16.f32 v21;
	v22 =	vld [tilespmem:s0+$0xDC10]  }
0x100: {  	v9 =	vadd.f32 v20, v9;
	v7 =	vadd.f32 v24, v7;
	v23 =	vunpack.i.u.bf16.f32 v19  }
0x101: {  	v19 =	vunpack.i.l.bf16.f32 v19;
	v6 =	vadd.f32 v17, v6;
	v8 =	vadd.f32 v15, v8;
	v15 =	vld [tilespmem:s0+$0xDC50];
	s0 =	sshra.s32 s1, $0x2  }
0x102: {  	v9 =	vadd.f32 v16, v9;
	v7 =	vadd.f32 v14, v7;
	v17 =	vld [tilespmem:s0+$0xDC20];
	v20 =	vunpack.i.u.bf16.f32 v18  }
0x103: {  	v10 =	vadd.f32 v19, v10;
	v13 =	vadd.f32 v23, v13;
	v14 =	vunpack.i.l.bf16.f32 v18;
	v16 =	vld [tilespmem:s0+$0xDC30]  }
0x104: {  	v11 =	vadd.f32 v14, v11;
	v12 =	vadd.f32 v20, v12;
	v24 =	vld [tilespmem:s0+$0xDC40];
	v14 =	vunpack.i.u.bf16.f32 v22  }
0x105: {  	v10 =	vadd.f32 v21, v10;
	v13 =	vadd.f32 v25, v13;
	v18 =	vunpack.i.l.bf16.f32 v22;
	v23 =	vld [tilespmem:s0+$0xDBE0]  }
0x106: {  	v11 =	vadd.f32 v18, v11;
	v12 =	vadd.f32 v14, v12;
	v20 =	vld [tilespmem:s0+$0xDBF0];
	v14 =	vunpack.i.u.bf16.f32 v15  }
.Ltmp6:
0x107: {  	v10 =	vadd.f32 v5, v10;
	v13 =	vadd.f32 v4, v13;
	v15 =	vunpack.i.l.bf16.f32 v15;
	v21 =	vld [tilespmem:s0+$0xDC00];
	(pc) =	sbr.rel @p0 .LBB2_13-.Ltmp6, $4  }
0x108: {  	v11 =	vadd.f32 v15, v11;
	v12 =	vadd.f32 v14, v12  }
0x109: {  	v15 =	vunpack.i.u.bf16.f32 v17;
	v17 =	vunpack.i.l.bf16.f32 v17;
	v19 =	vld [tilespmem:s0+$0xDBC0]  }
0x10a: {  	v14 =	vunpack.i.u.bf16.f32 v16;
	v16 =	vunpack.i.l.bf16.f32 v16;
	v4 =	vunpack.i.u.bf16.f32 v24  }
0x10b: {  	s1 =	sadd.s32 $0x280, s1;
	v5 =	vunpack.i.l.bf16.f32 v24;
	v22 =	vunpack.i.u.bf16.f32 v23;
	v23 =	vunpack.i.l.bf16.f32 v23;
	v18 =	vld [tilespmem:s0+$0xDBD0]  }
0x10c: {  	v24 =	vunpack.i.u.bf16.f32 v20  }
0x10d: {  	v47 =	vunpack.i.l.bf16.f32 v20;
	v25 =	vunpack.i.u.bf16.f32 v21;
	v6 =	vadd.f32 v23, v6  }
0x10e: {  	v8 =	vadd.f32 v22, v8;
	v48 =	vunpack.i.l.bf16.f32 v21;
	v59 =	vadd.s32 $0x1BC8, v0  }
0x10f: {  	v49 =	vld [tilespmem:s0+$0xDC10];
	v60 =	vadd.s32 $0x1BC9, v0;
	v9 =	vadd.f32 v47, v9;
	v7 =	vadd.f32 v24, v7  }
0x110: {  	v6 =	vadd.f32 v17, v6;
	v51 =	vunpack.i.l.bf16.f32 v19;
	v8 =	vadd.f32 v15, v8  }
0x111: {  	v52 =	vld [tilespmem:s0+$0xDC50];
	v50 =	vunpack.i.u.bf16.f32 v19;
	v9 =	vadd.f32 v16, v9;
	v10 =	vadd.f32 v51, v10  }
0x112: {  	v7 =	vadd.f32 v14, v7;
	v13 =	vadd.f32 v50, v13;
	v53 =	vunpack.i.l.bf16.f32 v18  }
0x113: {  	v54 =	vunpack.i.u.bf16.f32 v18;
	v11 =	vadd.f32 v53, v11;
	v10 =	vadd.f32 v48, v10  }
0x114: {  	v12 =	vadd.f32 v54, v12;
	v55 =	vunpack.i.l.bf16.f32 v49;
	v13 =	vadd.f32 v25, v13  }
0x115: {  	v56 =	vunpack.i.u.bf16.f32 v49;
	v11 =	vadd.f32 v55, v11;
	v5 =	vadd.f32 v5, v10  }
0x116: {  	v58 =	vunpack.i.l.bf16.f32 v52;
	v12 =	vadd.f32 v56, v12;
	v4 =	vadd.f32 v4, v13  }
0x117: {  	v57 =	vunpack.i.u.bf16.f32 v52;
	v10 =	vadd.f32 v58, v11;
	v5 =	vadd.f32 v6, v5  }
0x118: {  	v62 =	vadd.s32 $0x1BE8, v0;
	v61 =	vadd.f32 v57, v12;
	v4 =	vadd.f32 v8, v4  }
0x119: {  	v63 =	vadd.s32 $0x1BE9, v0;
	v5 =	vmul.f32 $2.857142830e-03, v5;
	v9 =	vadd.f32 v9, v10  }
0x11a: {  	v4 =	vmul.f32 $2.857142830e-03, v4;
	v7 =	vadd.f32 v7, v61  }
0x11b: {  	[tilespmem:v59+s28+$0x0] =	vst.idx.msk $0xffff, v5;
	v5 =	vmul.f32 $2.857142830e-03, v9  }
0x11c: {  	s31 =	sadd.s32 $0x1, s31;
	[tilespmem:v60+s28+$0x0] =	vst.idx.msk $0xffff, v4;
	v4 =	vmul.f32 $2.857142830e-03, v7  }
0x11d: {  	p0 =	sne.s32 s31, s6;
	[tilespmem:v62+s28+$0x0] =	vst.idx.msk $0x1ff, v5  }
.Ltmp7:
0x11e: {  	[tilespmem:v63+s28+$0x0] =	vst.idx.msk $0x1ff, v4;
	(pc) =	sbr.rel @p0 .LBB2_1-.Ltmp7, $4  }
0x11f: {  	[hbm4b:s5+s2] =	stream.linear.scatter [tilespmem:s28], [sflag:$0x4], $0x1C00, $0x38;
	[tilespmem:$0x14F40] =	vst v63  }
0x120: {  	_ =	swait.ge [sflag:s7], $0x1C00  }
0x121: {  	[sflag:s7] =	ssyncset.done $0x0  }
0x122: {  	[sflag:s7] =	ssyncadd.s32 $0xFFFFE400  }
0x123: {  	_ =	sfence.sel $0x180000  }
0x124: {  	[bflag:$0x0] =	sbarrier.arrive $0xFFFF  }
0x125: {  	_ =	strace $0x9000004D  }
0x126: {  	s0 =	stileid.u32;
	[bflag:$0x2] =	sbarrier.arrive $0xFFFF  }
0x127: {  	p0 =	sne.s32 s0, $0x0;
	s0 =	rddreg [dreg:$0x2]  }
0x128: {  	s0 =	sadd.s32 @!p0 $0x100000, s0  }
0x129: {  	[sflag:s0] =	ssyncadd.tile.s32 @!p0 $0x1;
	_ =	shalt  }
.Lfunc_end2:
_tile_overlayer_lowered:
.L_overlay_start_2:
0x12a: {  	(tag) =	ssettag $0x2  }
0x12b: {  	s0 =	rddreg [dreg:$0x0];
	s2 =	stileid.u32  }
0x12c: {  	s1 =	rddreg [dreg:$0x1];
	p0 =	sne.s32 s2, $0x0  }
0x12d: {  	s3 =	rddreg [dreg:$0x2];
	[bflag:$0x3] =	sbarrier.arrive $0xFFFF;
	s2 =	simm.s32 @!p0 $0x1C04  }
0x12e: {  	[timem:s3], [sflag:s2] =	dma.local @!p0 [hbm:s0], s1  }
0x12f: {  	s0 =	simm.s32 @!p0 $0x4  }
0x130: {  	_ =	swait.ge @!p0 [sflag:s0], s1  }
0x131: {  	s1 =	ssub.s32 @!p0 $0x0, s1;
	[sflag:s0] =	ssyncset.done @!p0 $0x0  }
0x132: {  	[sflag:s0] =	ssyncadd.s32 @!p0 s1  }
0x133: {  	[bflag:$0x3] =	sbarrier.arrive $0xFFFF  }
0x134: {  	_ =	shalt  }

// kernel: sparse-core-data-format-call.1.cloned.1.call-start
scs
called_computation.1_lowered:
.L_overlay_start_0:
0x0: {  	s1 =	sld [smem:$0x3FD9]  }
0x1: {  	s2 =	sld [smem:$0x3FFE];
	_ =	sdelay $0x1  }
0x2: {  	s3 =	srdreg.scid  }
0x3: {  	s0 =	sand.u32 $0x1, s3  }
0x4: {  	s17 =	sshll.u32 s0, $0xA;
	s1 =	sadd.s32 s2, s1  }
0x5: {  	s1 =	sadd.s32 s1, s17  }
0x6: {  	[smem:$0x3FC6] =	sst s1  }
0x7: {  	_ = 	snop  }
0x8: {  	(tm) =	ssettm $0x1  }
0x9: {  	s18 =	sld [smem:$0x3FFB];
	_ =	sdelay $0x3  }
0xa: {  	_ =	strace s18  }
0xb: {  	s1 =	sld [smem:$0x3FFC];
	_ =	sdelay $0x3  }
0xc: {  	_ =	strace s1  }
0xd: {  	s1 =	sld [smem:$0x3FFD];
	_ =	sdelay $0x3  }
0xe: {  	_ =	strace s1  }
0xf: {  	_ =	strace $0x8FFFFFFF  }
0x10: {  	s19 =	sld [smem:$0x3FDB];
	_ =	sdelay $0x1  }
0x11: {  	s20 =	simm.s32 $_scs_section_size  }
0x12: {  	s4 =	simm.s32 $_size__tile_overlayer_lowered;
	s5 =	simm.s32 $_tile_overlayer_lowered  }
0x13: {  	s23 =	simm.s32 $0x1BFF;
	s22 =	sshll.u32 s5, $0x1;
	s1 =	sadd.s32 s20, s19  }
0x14: {  	s6 =	simm.s32 $0x0;
	s21 =	sshll.u32 s4, $0x1;
	s4 =	sadd.s32 s22, s1  }
0x15: {  	[timem:s6], [sflag:s23] =	dma.local [hbm:s4], s21  }
0x16: {  	_ =	swait.ge [sflag:s23], s21  }
0x17: {  	s2 =	ssub.s32 $0x0, s21;
	[sflag:s23] =	ssyncset.done $0x0  }
0x18: {  	[sflag:s23] =	ssyncadd.s32 s2;
	_ =	sdelay $0x1  }
0x19: {  	s24 =	simm.s32 $0x1B8B  }
0x1a: {  	_ =	swait.ge [sflag:s24], $0x1  }
0x1b: {  	[sflag:s24] =	ssyncset.done $0x0  }
0x1c: {  	s26 =	simm.s32 $0x1B8E;
	s25 =	sld [smem:$0x3FFE];
	[sflag:s24] =	ssyncadd.s32 $0xFFFFFFFF  }
0x1d: {  	s27 =	simm.s32 $execute0_lowered;
	[smem:$0x3FD2] =	sst s26  }
0x1e: {  	s4 =	sshll.u32 s27, $0x1;
	_ =	strace $0x80000046;
	[dreg:$0x1] =	wrdreg $0xFFFFFFFF  }
0x1f: {  	s28 =	simm.s32 $_size_execute0_lowered;
	s1 =	sadd.s32 s1, s4;
	[dreg:$0x0] =	wrdreg $0x0  }
0x20: {  	s4 =	sshll.u32 s28, $0x1;
	[dreg:$0x2] =	wrdreg s1  }
0x21: {  	[dreg:$0x3] =	wrdreg s4  }
0x22: {  	[dreg:$0x4] =	wrdreg $0xC0  }
0x23: {  	_ =	task [dreg:s6], $0x5FFFF  }
0x24: {  	[dreg:$0x1] =	wrdreg $0xFFFFFFFF  }
0x25: {  	[dreg:$0x0] =	wrdreg $0x60  }
0x26: {  	[dreg:$0x2] =	wrdreg s25  }
0x27: {  	[dreg:$0x3] =	wrdreg $0x9  }
0x28: {  	_ =	task.clear_ibuf [dreg:s6], $0x4FFFF;
	_ =	strace $0x90000046  }
0x29: {  	s29 =	simm.s32 $0x9;
	_ =	strace $0x80000048  }
0x2a: {  	_ =	swait.ge [sflag:s29], $0x1  }
0x2b: {  	[sflag:s29] =	ssyncadd.s32 $0xFFFFFFFF  }
0x2c: {  	_ =	strace $0x90000048  }
0x2d: {  	_ =	sfence  }
0x2e: {  	s30 =	sld [smem:$0x0];
	_ =	sdelay $0x2  }
0x2f: {  	s31 =	sshll.u32 s3, $0xD;
	s3 =	sshrl.u32 s3, $0x2  }
0x30: {  	s2 =	sand.u32 $0x4000, s31;
	s1 =	sadd.s32 s3, s30  }
0x31: {  	s0 =	sor.u32 s2, s0;
	s1 =	sshll.u32 s1, $0x11  }
0x32: {  	s0 =	sor.u32 s1, s0  }
0x33: {  	s0 =	sadd.s32 $0x8F2B, s0  }
0x34: {  	[sflag:s0] =	ssyncadd.remote.s32 $0x1  }
0x35: {  	_ =	sfence.sel $0xFFFF  }
0x36: {  	[dreg:$0x0] =	wrdreg $0xFFFFFFFF;
	(pc) =	sbr.abs _section_cstart, $3  }
0x37: {  	[dreg:$0x1] =	wrdreg $0xFFFFFFFF  }
0x38: {  	_ =	task.clear_ibuf [dreg:s6], $0x2FFFF;
	_ =	strace $0x9FFFFFFF  }
0x39: {  	(tm) =	ssettm $0x7FFFFFFF  }
tec
execute0_lowered:
.L_overlay_start_1:
0x0: {  	(tag) =	ssettag $0x1  }
0x1: {  	s0 =	srdreg.scid  }
0x2: {  	s6 =	rddreg [dreg:$0x0];
	s7 =	simm.s32 $0x1;
	s1 =	sshll.u32 s0, $0x4  }
0x3: {  	s8 =	simm.s32 $0x2;
	s0 =	stileid.u32;
	s1 =	sand.u32 $0x10, s1  }
0x4: {  	s13 =	simm.s32 $0x0;
	s12 =	simm.s32 $0x0;
	s1 =	sor.u32 s0, s1  }
0x5: {  	s10 =	simm.s32 $0x0;
	s11 =	simm.s32 $0x0;
	s2 =	sshll.u32 s1, $0x7  }
0x6: {  	s3 =	sadd.s32 $0x1400, s6;
	s6 =	sadd.s32 $0x157200, s6;
	s5 =	ssub.s32 $0x61A80, s2  }
.Ltmp0:
0x7: {  	s1 =	rddreg [dreg:$0x1];
	s4 =	sand.u32 $0xF80, s5;
	(pc) =	sbr.rel .LBB1_1-.Ltmp0, $4  }
0x8: {  	_ =	strace $0x80000047;
	s9 =	smov.u32 s2;
	p0 =	sne.s32 s4, $0x0  }
0x9: {  	s5 =	sshrl.u32 s5, $0xC;
	s4 =	simm.s32 $0x1;
	s7 =	simm.s32 @!p0 $0x0  }
0xa: {  	[sflag:s4] =	ssyncpa.u1 $0x0;
	p0 =	por $0x0, $0x0;
	s5 =	sadd.s32 s7, s5  }
0xb: {  	[sflag:s8] =	ssyncpa.u1 $0x0;
	s8 =	simm.s32 $0x80;
	s7 =	sadd.s32 $0x1, s5  }
.LBB1_4:
0xc: {  	s13 =	sshll.u32 s13, $0x7;
	s16 =	sshll.u32 s12, $0x4  }
0xd: {  	s17 =	sand.u32 $0xFFFFF800, s13;
	s16 =	sand.u32 $0xFFFFF800, s16  }
0xe: {  	s25 =	sshll.u32 s12, $0x1;
	v7 =	vperm.xlane.i2c.b16 v7;
	s13 =	sand.u32 $0x700, s13;
	s16 =	sadd.s32 s16, s17  }
0xf: {  	v12 =	vcombine.low v10, v9;
	[tilespmem:s15+$0x821 ss:$0x41] =	vst.msk $0xffff, v8;
	v0 =	vcombine.high v1, v0;
	s13 =	sor.u32 s13, s16;
	s16 =	sand.u32 $0x80, s25  }
0x10: {  	s26 =	sadd.s32 s20, s14;
	s18 =	sshrl.u32 s19, $0x1;
	v3 =	vperm.xlane.i2c.b16 v3;
	v59 =	vcombine.high v10, v9;
	[tilespmem:s15+$0x0 ss:$0x41] =	vst.msk $0xffff, v11;
	s13 =	sor.u32 s16, s13  }
0x11: {  	v2 =	vperm.xlane.i2c.b16 v2;
	v5 =	vperm.xlane.i2c.b16 v5;
	s17 =	sadd.s32 s18, s26;
	[tilespmem:s15+$0x1 ss:$0x41] =	vst.msk $0xffff, v0;
	s13 =	sshrl.u32 s13, $0x7  }
0x12: {  	v61 =	vperm.xlane.i2c.b16 v6;
	v60 =	vcombine.low v7, v3;
	[tilespmem:s17+$0xC30 ss:$0x41] =	vst.msk $0xffff, v12;
	s27 =	smulhi.u32 $0x14F8B59, s13  }
0x13: {  	v62 =	vcombine.low v2, v5;
	[tilespmem:s17+$0xC31 ss:$0x41] =	vst.msk $0xffff, v59  }
0x14: {  	v63 =	vcombine.low v61, v4;
	[tilespmem:s17+$0x410 ss:$0x41] =	vst.msk $0xffff, v60;
	s28 =	sshrl.u32 s27, $0xB  }
0x15: {  	v3 =	vcombine.high v7, v3;
	[tilespmem:s17+$0x820 ss:$0x41] =	vst.msk $0xffff, v62;
	s15 =	smul.u32 $0x61A80, s28  }
0x16: {  	s29 =	sshrl.u32 s12, $0x3;
	v2 =	vcombine.high v2, v5;
	[tilespmem:s17+$0x0 ss:$0x41] =	vst.msk $0xffff, v63  }
0x17: {  	s31 =	sand.u32 $0x7, s12;
	s30 =	sand.u32 $0x7, s29;
	v0 =	vcombine.high v61, v4;
	[tilespmem:s17+$0x411 ss:$0x41] =	vst.msk $0xffff, v3;
	s13 =	ssub.s32 s13, s15  }
0x18: {  	s12 =	sshll.u32 s31, $0x12;
	[tilespmem:s17+$0x821 ss:$0x41] =	vst.msk $0xffff, v2;
	s15 =	sadd.s32 s6, s30;
	s13 =	sshll.u32 s13, $0x3  }
0x19: {  	s12 =	sor.u32 $0x40, s12;
	[tilespmem:s17+$0x1 ss:$0x41] =	vst.msk $0xffff, v0;
	s13 =	sadd.s32 s13, s15  }
0x1a: {  	[hbm4b:s13+s12] =	stream.strided.scatter [tilespmem:s14], [sflag:$0x2], $0x1000, s8, s12, $0x18;
	[tilespmem:$0x4080] =	vst v63  }
.LBB1_5:
0x1b: {  	s14 =	sadd.s32 $0x1000, s9  }
0x1c: {  	s12 =	sadd.s32 $0x40, s10;
	s16 =	smov.u32 s10;
	p2 =	sgt.s32 s14, $0x61A7F  }
0x1d: {  	s16 =	smov.u32 @p2 s12  }
0x1e: {  	s14 =	smov.u32 @p2 s2;
	p2 =	sgt.s32 s16, $0x31  }
0x1f: {  	s16 =	simm.s32 @p2 $0x0;
	p2 =	sne.s32 s11, s7  }
.Ltmp1:
0x20: {  	p1 =	slt.u32 s11, $0x2;
	(pc) =	sbr.rel @!p2 .LBB1_6-.Ltmp1, $4  }
0x21: {  	s15 =	simm.s32 @!p1 $0x2  }
0x22: {  	s13 =	smov.u32 s9;
	p0 =	por !p0, !p0;
	_ =	swait.ge @!p1 [sflag:s15], $0x1000  }
0x23: {  	s12 =	smov.u32 s10;
	[sflag:s15] =	ssyncset.done @!p1 $0x0;
	s9 =	smov.u32 s14  }
0x24: {  	s11 =	sadd.s32 $0x1, s11;
	[sflag:s15] =	ssyncadd.s32 @!p1 $0xFFFFF000;
	s10 =	smov.u32 s16  }
.LBB1_1:
0x25: {  	p1 =	sge.u32 s11, s5  }
0x26: {  	s31 =	sadd.s32 $0xFFFFFFFF, s11;
	s14 =	sshrl.u32 @!p1 s10, $0x3  }
0x27: {  	s15 =	sshll.u32 @!p1 s9, $0x3;
	s16 =	sshll.u32 @!p1 s10, $0x7;
	p2 =	sgt.s32 @!p1 s10, $0xFFFFFFF8  }
0x28: {  	s17 =	sshra.s32 @!p1 s10, $0x1F;
	s18 =	sshra.s32 @!p1 s9, $0x1F;
	s14 =	smul.u32 @!p1 $0x30D400, s14  }
0x29: {  	s15 =	sand.u32 @!p1 $0xFFFFFC00, s15;
	p2 =	por !p2, p1;
	s17 =	sand.u32 @!p1 s17, s10  }
0x2a: {  	s14 =	sadd.s32 @!p1 s14, s15;
	s15 =	sand.u32 @!p1 $0x300, s16;
	s16 =	sshll.u32 @!p1 s9, $0x1  }
0x2b: {  	s14 =	sor.u32 @!p1 s15, s14;
	s15 =	sand.u32 @!p1 $0xFE, s16;
	s16 =	smov.u32 s10  }
0x2c: {  	s18 =	sand.u32 @!p1 s18, s9;
	s14 =	sor.u32 @!p1 s15, s14;
	s16 =	simm.s32 @p2 $0xFFFFFFF8  }
0x2d: {  	p2 =	sgt.s32 @!p1 s9, $0x61A00;
	s15 =	sshrl.u32 @!p1 s14, $0x7;
	s16 =	ssub.s32 @!p1 s16, s17  }
0x2e: {  	p2 =	por !p2, p1;
	s17 =	smov.u32 s9;
	s15 =	smulhi.u32 @!p1 $0x14F8B59, s15  }
0x2f: {  	s19 =	sadd.s32 @!p1 $0x8, s16;
	s17 =	simm.s32 @p2 $0x61A00;
	s16 =	ssub.s32 @!p1 $0x38, s16  }
0x30: {  	p2 =	sgt.s32 @!p1 s19, $0x3F;
	s17 =	ssub.s32 @!p1 s17, s18;
	s15 =	sshrl.u32 @!p1 s15, $0x4  }
0x31: {  	p2 =	por !p2, p1;
	s18 =	sadd.s32 @!p1 $0xFFF9E600, s17;
	s20 =	smul.u32 @!p1 $0x4925, s15  }
0x32: {  	s17 =	ssub.s32 @!p1 $0x61A80, s17;
	s16 =	simm.s32 @!p2 $0x0;
	p2 =	sgt.s32 @!p1 s18, $0x7F  }
0x33: {  	p2 =	por !p2, p1;
	s19 =	sshrl.u32 @!p1 s20, $0x14;
	s20 =	smul.u32 @!p1 $0x61A80, s15  }
0x34: {  	s17 =	simm.s32 @!p2 $0x0;
	s18 =	smul.u32 @!p1 $0x38, s19;
	s19 =	sand.u32 @!p1 $0x1, s10  }
0x35: {  	s16 =	smul.u32 @!p1 s16, s17;
	s17 =	sxor.u32 @!p1 $0xFFFFFFFF, s11;
	s14 =	sor.u32 @!p1 s19, s14  }
0x36: {  	s17 =	sshll.u32 @!p1 s17, $0xC;
	s15 =	ssub.s32 @!p1 s15, s18;
	s14 =	ssub.s32 @!p1 s14, s20  }
0x37: {  	s16 =	sshrl.u32 @!p1 s16, $0x1;
	s17 =	sand.u32 @!p1 $0x1000, s17;
	s15 =	sand.u32 @!p1 $0xFFFF, s15  }
0x38: {  	s18 =	sshrl.u32 @!p1 s14, $0x4;
	s14 =	sshll.u32 @!p1 s14, $0x11;
	s15 =	smul.u32 @!p1 $0x61A8, s15  }
0x39: {  	s16 =	sand.u32 @!p1 $0x3FFFFFFF, s16;
	s18 =	sadd.s32 @!p1 s3, s18;
	s14 =	sand.u32 @!p1 $0x1C0000, s14  }
0x3a: {  	s14 =	sor.u32 @!p1 $0x200, s14;
	s15 =	sadd.s32 @!p1 s15, s18;
	s18 =	simm.s32 @!p1 $0x186A00  }
0x3b: {  	[tilespmem:s17], [sflag:$0x1] =	stream.strided.gather @!p1 [hbm4b:s15+s14], s16, s18, s14, $0x38;
	[tilespmem:$0x4080] =	vst v63  }
0x3c: {  	p1 =	sge.u32 s31, s5  }
.Ltmp2:
0x3d: {  	_ = 	snop;
	(pc) =	sbr.rel @p1 .LBB1_5-.Ltmp2, $1  }
0x3e: {  	_ =	sdelay $0x3  }
0x3f: {  	p1 =	sgt.s32 s12, $0xFFFFFFF8  }
0x40: {  	s14 =	smov.u32 s12;
	s15 =	sshra.s32 s12, $0x1F;
	s16 =	smov.u32 s13  }
0x41: {  	s17 =	sshra.s32 s13, $0x1F;
	s14 =	simm.s32 @!p1 $0xFFFFFFF8;
	p1 =	sgt.s32 s13, $0x61A00  }
0x42: {  	s15 =	sand.u32 s15, s12;
	s25 =	sand.u32 s17, s13;
	s16 =	simm.s32 @!p1 $0x61A00  }
0x43: {  	s14 =	ssub.s32 s14, s15;
	s15 =	ssub.s32 s16, s25  }
0x44: {  	s26 =	sadd.s32 $0x8, s14;
	s14 =	ssub.s32 $0x38, s14;
	s16 =	sadd.s32 $0xFFF9E600, s15  }
0x45: {  	p1 =	sgt.s32 s26, $0x3F;
	s15 =	ssub.s32 $0x61A80, s15;
	p2 =	sgt.s32 s16, $0x7F  }
0x46: {  	s14 =	simm.s32 @p1 $0x0;
	s15 =	simm.s32 @p2 $0x0  }
0x47: {  	s14 =	smul.u32 s14, s15;
	_ =	sdelay $0x1  }
0x48: {  	s14 =	sshrl.u32 s14, $0x1  }
0x49: {  	s15 =	simm.s32 $0x1;
	s14 =	sand.u32 $0x3FFFFFFF, s14  }
0x4a: {  	s15 =	simm.s32 @!p0 $0x0;
	_ =	swait.ge [sflag:s4], s14  }
0x4b: {  	s15 =	sshll.u32 s15, $0xC;
	s14 =	ssub.s32 $0x0, s14;
	[sflag:s4] =	ssyncset.done $0x0  }
0x4c: {  	s15 =	sor.u32 $0x40, s15;
	[sflag:s4] =	ssyncadd.s32 s14  }
0x4d: {  	v0 =	vld [tilespmem:s15+$0x20]  }
0x4e: {  	v1 =	vld [tilespmem:s15+$0x30]  }
0x4f: {  	v2 =	vld [tilespmem:s15+$0xFFFFFFD0]  }
0x50: {  	v3 =	vld [tilespmem:s15+$0xFFFFFFE0]  }
0x51: {  	v4 =	vld [tilespmem:s15+$0xFFFFFFF0]  }
0x52: {  	s27 =	sand.u32 $0x1, s11;
	v5 =	vld [tilespmem:s15+$0x0]  }
0x53: {  	s14 =	smul.u32 $0x4100, s27;
	v6 =	vld [tilespmem:s15+$0x10]  }
0x54: {  	s28 =	simm.s32 $0x0;
	s18 =	sadd.s32 $0x80, s15;
	v1 =	vperm.xlane.i2c.b16 v1  }
0x55: {  	s29 =	sand.u32 $0x3C, s28;
	v9 =	vld [tilespmem:s18+$0x30];
	s14 =	sshrl.u32 s14, $0x2;
	v7 =	vperm.xlane.i2c.b16 v0;
	v0 =	vperm.xlane.i2c.b16 v2  }
0x56: {  	s30 =	sand.u32 $0x40, s28;
	s31 =	sshrl.u32 s29, $0x1;
	v8 =	vld [tilespmem:s15+$0xFFFFFFC0];
	s14 =	sor.u32 $0x2000, s14;
	v2 =	vperm.xlane.i2c.b16 v3;
	v4 =	vperm.xlane.i2c.b16 v4  }
0x57: {  	v10 =	vld [tilespmem:s18+$0x20];
	s15 =	sshrl.u32 s30, $0x1;
	s16 =	sadd.s32 s31, s14;
	v5 =	vperm.xlane.i2c.b16 v5;
	v3 =	vcombine.low v7, v1  }
0x58: {  	v11 =	vld [tilespmem:s18+$0xFFFFFFD0];
	s15 =	sadd.s32 s15, s16;
	v6 =	vperm.xlane.i2c.b16 v6;
	v12 =	vcombine.low v2, v4  }
0x59: {  	v1 =	vcombine.high v7, v1;
	v7 =	vld [tilespmem:s18+$0xFFFFFFE0];
	[tilespmem:s15+$0xC30 ss:$0x41] =	vst.msk $0xffff, v3  }
0x5a: {  	v9 =	vperm.xlane.i2c.b16 v9;
	v63 =	vcombine.low v5, v6;
	v3 =	vld [tilespmem:s18+$0xFFFFFFF0];
	[tilespmem:s15+$0x410 ss:$0x41] =	vst.msk $0xffff, v12  }
0x5b: {  	s16 =	simm.s32 $0x4;
	v4 =	vcombine.high v2, v4;
	v2 =	vld [tilespmem:s18+$0x0];
	[tilespmem:s15+$0xC31 ss:$0x41] =	vst.msk $0xffff, v1;
	v1 =	vperm.xlane.i2c.b16 v8  }
0x5c: {  	s17 =	simm.s32 $0x2;
	s20 =	sand.u32 $0x3C, s16;
	v10 =	vperm.xlane.i2c.b16 v10;
	[tilespmem:s15+$0x820 ss:$0x41] =	vst.msk $0xffff, v63;
	v8 =	vcombine.high v5, v6;
	v5 =	vld [tilespmem:s18+$0x10]  }
0x5d: {  	s19 =	sand.u32 $0x40, s16;
	s20 =	sshrl.u32 s20, $0x1;
	[tilespmem:s15+$0x411 ss:$0x41] =	vst.msk $0xffff, v4;
	v6 =	vld [tilespmem:s18+$0xFFFFFFC0];
	v4 =	vperm.xlane.i2c.b16 v11;
	s18 =	sadd.s32 $0x80, s18;
	v11 =	vcombine.low v1, v0  }
.LBB1_3:
0x5e: {  	v12 =	vld [tilespmem:s18+$0x20];
	s20 =	sadd.s32 s20, s14;
	s19 =	sshrl.u32 s19, $0x1;
	v13 =	vperm.xlane.i2c.b16 v7;
	v7 =	vcombine.low v10, v9;
	[tilespmem:s15+$0x821 ss:$0x41] =	vst.msk $0xffff, v8  }
0x5f: {  	v8 =	vperm.xlane.i2c.b16 v3;
	v3 =	vcombine.high v10, v9;
	s17 =	sadd.s32 $0x2, s17;
	v14 =	vld [tilespmem:s18+$0x30];
	s19 =	sadd.s32 s19, s20;
	[tilespmem:s15+$0x0 ss:$0x41] =	vst.msk $0xffff, v11  }
0x60: {  	v9 =	vperm.xlane.i2c.b16 v2;
	v2 =	vcombine.high v1, v0;
	v0 =	vmov v4;
	p1 =	slt.u32 s17, $0x3E;
	v11 =	vld [tilespmem:s18+$0xFFFFFFD0];
	[tilespmem:s19+$0xC30 ss:$0x41] =	vst.msk $0xffff, v7  }
.Ltmp3:
0x61: {  	v5 =	vperm.xlane.i2c.b16 v5;
	v4 =	vcombine.low v13, v8;
	v7 =	vld [tilespmem:s18+$0xFFFFFFE0];
	[tilespmem:s19+$0xC31 ss:$0x41] =	vst.msk $0xffff, v3;
	(pc) =	sbr.rel @p1 .LBB1_3-.Ltmp3, $4  }
0x62: {  	v1 =	vperm.xlane.i2c.b16 v6;
	v6 =	vcombine.high v13, v8;
	v3 =	vld [tilespmem:s18+$0xFFFFFFF0];
	[tilespmem:s15+$0x1 ss:$0x41] =	vst.msk $0xffff, v2;
	s15 =	smov.u32 s19  }
0x63: {  	s16 =	sadd.s32 $0x4, s16;
	v13 =	vcombine.low v9, v5;
	v8 =	vcombine.high v9, v5;
	v2 =	vld [tilespmem:s18+$0x0];
	[tilespmem:s15+$0x410 ss:$0x41] =	vst.msk $0xffff, v4  }
0x64: {  	s20 =	sand.u32 $0x3C, s16;
	v10 =	vperm.xlane.i2c.b16 v12;
	v5 =	vld [tilespmem:s18+$0x10];
	v9 =	vperm.xlane.i2c.b16 v14;
	[tilespmem:s15+$0x411 ss:$0x41] =	vst.msk $0xffff, v6  }
0x65: {  	s20 =	sshrl.u32 s20, $0x1;
	s19 =	sand.u32 $0x40, s16;
	v6 =	vld [tilespmem:s18+$0xFFFFFFC0];
	v4 =	vperm.xlane.i2c.b16 v11;
	s18 =	sadd.s32 $0x80, s18;
	v11 =	vcombine.low v1, v0;
	[tilespmem:s15+$0x820 ss:$0x41] =	vst.msk $0xffff, v13  }
.Ltmp4:
0x66: {  	_ = 	snop;
	(pc) =	sbr.rel .LBB1_4-.Ltmp4, $1  }
0x67: {  	_ =	sdelay $0x3  }
.LBB1_6:
0x68: {  	_ =	sfence.sel $0x180000  }
0x69: {  	s2 =	simm.s32 $0x1;
	[bflag:$0x0] =	sbarrier.arrive $0xFFFF  }
0x6a: {  	s31 =	simm.s32 $0x2;
	[sflag:s2] =	ssyncpa.u1 $0x1  }
0x6b: {  	[sflag:s31] =	ssyncpa.u1 $0x1  }
0x6c: {  	p0 =	sne.s32 s0, $0x0;
	_ =	strace $0x90000047  }
0x6d: {  	s0 =	sadd.s32 @!p0 $0x100000, s1;
	[bflag:$0x2] =	sbarrier.arrive $0xFFFF  }
0x6e: {  	[sflag:s0] =	ssyncadd.tile.s32 @!p0 $0x1;
	_ =	shalt  }
.Lfunc_end1:
_tile_overlayer_lowered:
.L_overlay_start_2:
0x6f: {  	(tag) =	ssettag $0x2  }
0x70: {  	s0 =	rddreg [dreg:$0x0];
	s2 =	stileid.u32  }
0x71: {  	s1 =	rddreg [dreg:$0x1];
	p0 =	sne.s32 s2, $0x0  }
0x72: {  	s3 =	rddreg [dreg:$0x2];
	[bflag:$0x3] =	sbarrier.arrive $0xFFFF;
	s2 =	simm.s32 @!p0 $0x1C01  }
0x73: {  	[timem:s3], [sflag:s2] =	dma.local @!p0 [hbm:s0], s1  }
0x74: {  	s0 =	simm.s32 @!p0 $0x1  }
0x75: {  	_ =	swait.ge @!p0 [sflag:s0], s1  }
0x76: {  	s1 =	ssub.s32 @!p0 $0x0, s1;
	[sflag:s0] =	ssyncset.done @!p0 $0x0  }
0x77: {  	[sflag:s0] =	ssyncadd.s32 @!p0 s1  }
0x78: {  	[bflag:$0x3] =	sbarrier.arrive $0xFFFF  }
0x79: {  	_ =	shalt  }

// kernel: sparse-core-data-format-call.cloned.1.call-start
scs
called_computation_lowered:
.L_overlay_start_0:
0x0: {  	s1 =	sld [smem:$0x3FD9]  }
0x1: {  	s2 =	sld [smem:$0x3FFE];
	_ =	sdelay $0x1  }
0x2: {  	s3 =	srdreg.scid  }
0x3: {  	s0 =	sand.u32 $0x1, s3  }
0x4: {  	s17 =	sshll.u32 s0, $0xA;
	s1 =	sadd.s32 s2, s1  }
0x5: {  	s1 =	sadd.s32 s1, s17  }
0x6: {  	[smem:$0x3FC6] =	sst s1  }
0x7: {  	_ = 	snop  }
0x8: {  	(tm) =	ssettm $0x1  }
0x9: {  	s18 =	sld [smem:$0x3FFB];
	_ =	sdelay $0x3  }
0xa: {  	_ =	strace s18  }
0xb: {  	s1 =	sld [smem:$0x3FFC];
	_ =	sdelay $0x3  }
0xc: {  	_ =	strace s1  }
0xd: {  	s1 =	sld [smem:$0x3FFD];
	_ =	sdelay $0x3  }
0xe: {  	_ =	strace s1  }
0xf: {  	_ =	strace $0x8FFFFFFF  }
0x10: {  	s19 =	sld [smem:$0x3FDB];
	_ =	sdelay $0x1  }
0x11: {  	s20 =	simm.s32 $_scs_section_size  }
0x12: {  	s4 =	simm.s32 $_size__tile_overlayer_lowered;
	s5 =	simm.s32 $_tile_overlayer_lowered  }
0x13: {  	s23 =	simm.s32 $0x1BFF;
	s22 =	sshll.u32 s5, $0x1;
	s1 =	sadd.s32 s20, s19  }
0x14: {  	s6 =	simm.s32 $0x0;
	s21 =	sshll.u32 s4, $0x1;
	s4 =	sadd.s32 s22, s1  }
0x15: {  	[timem:s6], [sflag:s23] =	dma.local [hbm:s4], s21  }
0x16: {  	_ =	swait.ge [sflag:s23], s21  }
0x17: {  	s2 =	ssub.s32 $0x0, s21;
	[sflag:s23] =	ssyncset.done $0x0  }
0x18: {  	[sflag:s23] =	ssyncadd.s32 s2;
	_ =	sdelay $0x1  }
0x19: {  	s24 =	simm.s32 $0x1B8B  }
0x1a: {  	_ =	swait.ge [sflag:s24], $0x1  }
0x1b: {  	[sflag:s24] =	ssyncset.done $0x0  }
0x1c: {  	s26 =	simm.s32 $0x1B8E;
	s25 =	sld [smem:$0x3FFE];
	[sflag:s24] =	ssyncadd.s32 $0xFFFFFFFF  }
0x1d: {  	s27 =	simm.s32 $execute0_lowered;
	[smem:$0x3FD2] =	sst s26  }
0x1e: {  	s4 =	sshll.u32 s27, $0x1;
	_ =	strace $0x80000049;
	[dreg:$0x1] =	wrdreg $0xFFFFFFFF  }
0x1f: {  	s28 =	simm.s32 $_size_execute0_lowered;
	s1 =	sadd.s32 s1, s4;
	[dreg:$0x0] =	wrdreg $0x0  }
0x20: {  	s4 =	sshll.u32 s28, $0x1;
	[dreg:$0x2] =	wrdreg s1  }
0x21: {  	[dreg:$0x3] =	wrdreg s4  }
0x22: {  	[dreg:$0x4] =	wrdreg $0xC0  }
0x23: {  	_ =	task [dreg:s6], $0x5FFFF  }
0x24: {  	[dreg:$0x1] =	wrdreg $0xFFFFFFFF  }
0x25: {  	[dreg:$0x0] =	wrdreg $0x60  }
0x26: {  	[dreg:$0x2] =	wrdreg s25  }
0x27: {  	[dreg:$0x3] =	wrdreg $0x9  }
0x28: {  	_ =	task.clear_ibuf [dreg:s6], $0x4FFFF;
	_ =	strace $0x90000049  }
0x29: {  	s29 =	simm.s32 $0x9;
	_ =	strace $0x8000004B  }
0x2a: {  	_ =	swait.ge [sflag:s29], $0x1  }
0x2b: {  	[sflag:s29] =	ssyncadd.s32 $0xFFFFFFFF  }
0x2c: {  	_ =	strace $0x9000004B  }
0x2d: {  	_ =	sfence  }
0x2e: {  	s30 =	sld [smem:$0x0];
	_ =	sdelay $0x2  }
0x2f: {  	s31 =	sshll.u32 s3, $0xD;
	s3 =	sshrl.u32 s3, $0x2  }
0x30: {  	s2 =	sand.u32 $0x4000, s31;
	s1 =	sadd.s32 s3, s30  }
0x31: {  	s0 =	sor.u32 s2, s0;
	s1 =	sshll.u32 s1, $0x11  }
0x32: {  	s0 =	sor.u32 s1, s0  }
0x33: {  	s0 =	sadd.s32 $0x8F2B, s0  }
0x34: {  	[sflag:s0] =	ssyncadd.remote.s32 $0x1  }
0x35: {  	_ =	sfence.sel $0xFFFF  }
0x36: {  	[dreg:$0x0] =	wrdreg $0xFFFFFFFF;
	(pc) =	sbr.abs _section_cstart, $3  }
0x37: {  	[dreg:$0x1] =	wrdreg $0xFFFFFFFF  }
0x38: {  	_ =	task.clear_ibuf [dreg:s6], $0x2FFFF;
	_ =	strace $0x9FFFFFFF  }
0x39: {  	(tm) =	ssettm $0x7FFFFFFF  }
tec
execute0_lowered:
.L_overlay_start_1:
0x0: {  	(tag) =	ssettag $0x1  }
0x1: {  	s0 =	srdreg.scid  }
0x2: {  	s5 =	rddreg [dreg:$0x0];
	s1 =	stileid.u32;
	s4 =	simm.s32 $0x1  }
0x3: {  	s6 =	simm.s32 $0x2;
	s8 =	simm.s32 $0x0;
	s2 =	sshll.u32 s0, $0x4  }
0x4: {  	s9 =	simm.s32 $0x0;
	s13 =	simm.s32 $0x0;
	s2 =	sand.u32 $0x10, s2  }
.Ltmp0:
0x5: {  	s10 =	simm.s32 $0x0;
	s3 =	sor.u32 s1, s2;
	(pc) =	sbr.rel .LBB1_1-.Ltmp0, $4  }
0x6: {  	s0 =	rddreg [dreg:$0x1];
	_ =	strace $0x8000004A;
	s3 =	sshll.u32 s3, $0x4  }
0x7: {  	s12 =	simm.s32 $0x0;
	[sflag:s4] =	ssyncpa.u1 $0x0;
	s7 =	ssub.s32 $0x30D0, s3  }
0x8: {  	s2 =	sadd.s32 $0x187E00, s5;
	[sflag:s6] =	ssyncpa.u1 $0x0;
	s6 =	sshrl.u32 s7, $0x9  }
0x9: {  	s5 =	sadd.s32 $0x1400, s5;
	s11 =	smov.u32 s3;
	s7 =	sadd.s32 $0x2, s6  }
.LBB1_7:
0xa: {  	s15 =	sshll.u32 s12, $0xF  }
0xb: {  	s15 =	sand.u32 $0x8000, s15  }
0xc: {  	s16 =	sshll.u32 s10, $0x7;
	s15 =	sshrl.u32 s15, $0x1  }
0xd: {  	s16 =	sadd.s32 s5, s16;
	s15 =	sor.u32 $0x8000, s15  }
0xe: {  	[hbm4b:s16+s8] =	stream.linear.scatter [tilespmem:s15], [sflag:$0x2], s14, $0x38;
	[tilespmem:$0x10000] =	vst v63  }
.LBB1_8:
0xf: {  	p0 =	slt.u32 s12, $0x2  }
0x10: {  	p1 =	sgt.s32 @!p0 s13, $0x30C4  }
0x11: {  	s14 =	smov.u32 s13;
	s15 =	sshra.s32 @!p0 s13, $0x1F;
	p1 =	por !p1, p0  }
0x12: {  	s13 =	sand.u32 @!p0 s15, s13;
	s14 =	simm.s32 @p1 $0x30C4  }
0x13: {  	s13 =	ssub.s32 @!p0 s14, s13  }
0x14: {  	s13 =	sadd.s32 @!p0 $0xFFFFCF3C, s13  }
0x15: {  	s14 =	sshll.u32 @!p0 s13, $0xC  }
0x16: {  	p1 =	sgt.s32 @!p0 s13, $0xF;
	s13 =	ssub.s32 @!p0 $0x10000, s14  }
0x17: {  	s15 =	sadd.s32 $0x200, s11;
	p1 =	por !p1, p0;
	s13 =	sshrl.u32 @!p0 s13, $0x2  }
0x18: {  	s13 =	simm.s32 @!p1 $0x0;
	p1 =	sgt.s32 s15, $0x30D3  }
0x19: {  	s15 =	smov.u32 @p1 s3;
	p1 =	sne.s32 s12, s7  }
.Ltmp1:
0x1a: {  	_ = 	snop;
	(pc) =	sbr.rel @!p1 .LBB1_9-.Ltmp1, $4  }
0x1b: {  	s14 =	simm.s32 @!p0 $0x2  }
0x1c: {  	s9 =	sadd.s32 $0x8000, s9;
	_ =	swait.ge @!p0 [sflag:s14], s13;
	s16 =	ssub.s32 @!p0 $0x0, s13  }
0x1d: {  	s13 =	smov.u32 s10;
	s12 =	sadd.s32 $0x1, s12;
	[sflag:s14] =	ssyncset.done @!p0 $0x0  }
0x1e: {  	s10 =	smov.u32 s11;
	s11 =	smov.u32 s15;
	[sflag:s14] =	ssyncadd.s32 @!p0 s16  }
.LBB1_1:
0x1f: {  	p0 =	sgt.u32 s12, s6  }
0x20: {  	p1 =	sgt.s32 @!p0 s11, $0x30C4  }
0x21: {  	s14 =	smov.u32 s11;
	s15 =	sshra.s32 @!p0 s11, $0x1F;
	p1 =	por !p1, p0  }
0x22: {  	s15 =	sand.u32 @!p0 s15, s11;
	s14 =	simm.s32 @p1 $0x30C4  }
0x23: {  	s14 =	ssub.s32 @!p0 s14, s15  }
0x24: {  	s14 =	sadd.s32 @!p0 $0xFFFFCF3C, s14  }
0x25: {  	s16 =	sshll.u32 @!p0 s11, $0x7;
	s17 =	simm.s32 @!p0 $0x0;
	s15 =	sshll.u32 @!p0 s14, $0xC  }
0x26: {  	p1 =	sgt.s32 @!p0 s14, $0xF;
	s14 =	ssub.s32 @!p0 $0x10000, s15;
	s15 =	sxor.u32 @!p0 $0xFFFFFFFF, s12  }
0x27: {  	p1 =	por !p1, p0;
	s14 =	sshrl.u32 @!p0 s14, $0x2;
	s15 =	sshll.u32 @!p0 s15, $0xE  }
0x28: {  	s16 =	sadd.s32 @!p0 s2, s16;
	s14 =	simm.s32 @!p1 $0x0;
	s15 =	sand.u32 @!p0 $0x4000, s15  }
0x29: {  	[tilespmem:s15], [sflag:$0x1] =	stream.linear.gather @!p0 [hbm4b:s16+s17], s14, $0x38;
	[tilespmem:$0x10000] =	vst v63  }
0x2a: {  	p0 =	seq.s32 s12, $0x0  }
0x2b: {  	p1 =	sge.u32 @!p0 s12, s7  }
0x2c: {  	p0 =	por p0, p1  }
.Ltmp2:
0x2d: {  	_ = 	snop;
	(pc) =	sbr.rel @p0 .LBB1_8-.Ltmp2, $1  }
0x2e: {  	_ =	sdelay $0x3  }
0x2f: {  	p0 =	sgt.s32 s10, $0x30C4;
	s14 =	smov.u32 s10;
	s15 =	sshra.s32 s10, $0x1F  }
0x30: {  	s14 =	simm.s32 @!p0 $0x30C4;
	s15 =	sand.u32 s15, s10  }
0x31: {  	s14 =	ssub.s32 s14, s15  }
0x32: {  	s16 =	sadd.s32 $0x10, s10;
	s14 =	sadd.s32 $0xFFFFCF3C, s14  }
0x33: {  	p1 =	slt.s32 s16, $0x30D4;
	s30 =	sshll.u32 s14, $0xC  }
0x34: {  	s16 =	simm.s32 @!p1 $0x30D4;
	s15 =	ssub.s32 $0x10000, s30  }
0x35: {  	p0 =	sgt.s32 s14, $0xF;
	s14 =	sshrl.u32 s15, $0x2;
	s15 =	ssub.s32 s16, s10  }
0x36: {  	s14 =	simm.s32 @p0 $0x0;
	p0 =	slt.s32 s15, $0x1  }
.Ltmp3:
0x37: {  	_ = 	snop;
	(pc) =	sbr.rel @p0 .LBB1_7-.Ltmp3, $4  }
0x38: {  	_ = 	snop  }
0x39: {  	_ =	swait.ge [sflag:s4], s14  }
0x3a: {  	s31 =	ssub.s32 $0x0, s14;
	[sflag:s4] =	ssyncset.done $0x0  }
0x3b: {  	[sflag:s4] =	ssyncadd.s32 s31  }
0x3c: {  	s16 =	sshrl.u32 s9, $0x1  }
0x3d: {  	s17 =	sand.u32 $0x4000, s16  }
0x3e: {  	s18 =	simm.s32 $0x0;
	s16 =	sor.u32 $0x200, s17;
	s17 =	sor.u32 $0x8080, s17  }
.LBB1_4:
0x3f: {  	v0 =	vld [tilespmem:s16+$0xFFFFFE70]  }
0x40: {  	v1 =	vld [tilespmem:s16+$0x70]  }
0x41: {  	v2 =	vld [tilespmem:s16+$0x0]  }
0x42: {  	v3 =	vld [tilespmem:s16+$0xFFFFFE10]  }
0x43: {  	v4 =	vld [tilespmem:s16+$0x10]  }
0x44: {  	v5 =	vld [tilespmem:s16+$0xFFFFFE20]  }
0x45: {  	v7 =	vld [tilespmem:s16+$0x20]  }
0x46: {  	v11 =	vld [tilespmem:s16+$0x30];
	v6 =	vunpack.i.l.s16.s32 v0;
	v8 =	vunpack.i.u.s16.s32 v0;
	v9 =	vunpack.i.u.s16.s32 v1  }
0x47: {  	v10 =	vunpack.i.l.s16.s32 v1;
	v0 =	vunpack.i.u.s16.s32 v2;
	v1 =	vunpack.i.l.s16.s32 v2;
	v2 =	vld [tilespmem:s16+$0xFFFFFE30]  }
0x48: {  	v8 =	vpack.i.b32.b16 v9, v8;
	v9 =	vunpack.i.u.s16.s32 v3;
	v3 =	vunpack.i.l.s16.s32 v3  }
0x49: {  	v12 =	vld [tilespmem:s16+$0xFFFFFE40];
	v6 =	vpack.i.b32.b16 v10, v6;
	[tilespmem:s17+$0x70] =	vst v8;
	v8 =	vunpack.i.u.s16.s32 v4;
	v4 =	vunpack.i.l.s16.s32 v4  }
0x4a: {  	v13 =	vld [tilespmem:s16+$0x40];
	v10 =	vunpack.i.u.s16.s32 v5;
	v5 =	vunpack.i.l.s16.s32 v5;
	[tilespmem:s17+$0xFFFFFFF0] =	vst v6;
	v3 =	vpack.i.b32.b16 v4, v3  }
0x4b: {  	v6 =	vunpack.i.l.s16.s32 v7;
	v4 =	vld [tilespmem:s16+$0xFFFFFE50];
	[tilespmem:s17+$0xFFFFFF90] =	vst v3;
	v3 =	vpack.i.b32.b16 v8, v9;
	v8 =	vunpack.i.u.s16.s32 v7  }
0x4c: {  	v7 =	vunpack.i.l.s16.s32 v11;
	[tilespmem:s17+$0x10] =	vst v3;
	v3 =	vpack.i.b32.b16 v6, v5;
	v9 =	vunpack.i.u.s16.s32 v2;
	v6 =	vld [tilespmem:s16+$0x50]  }
0x4d: {  	v5 =	vunpack.i.l.s16.s32 v2;
	v2 =	vld [tilespmem:s16+$0xFFFFFE60];
	[tilespmem:s17+$0xFFFFFFA0] =	vst v3;
	v3 =	vpack.i.b32.b16 v8, v10;
	v10 =	vunpack.i.u.s16.s32 v11  }
0x4e: {  	s21 =	simm.s32 $0x0;
	v11 =	vpack.i.b32.b16 v7, v5;
	v7 =	vunpack.i.u.s16.s32 v12;
	v8 =	vunpack.i.l.s16.s32 v12;
	[tilespmem:s17+$0x20] =	vst v3;
	v3 =	vld [tilespmem:s16+$0x60]  }
0x4f: {  	s22 =	sadd.s32 $0x80, s16;
	s20 =	smov.u32 s17;
	s19 =	smov.u32 s17;
	v5 =	vld [tilespmem:s16+$0xFFFFFE00];
	[tilespmem:s17+$0xFFFFFFB0] =	vst v11;
	v10 =	vpack.i.b32.b16 v10, v9;
	v9 =	vunpack.i.u.s16.s32 v13;
	v11 =	vunpack.i.l.s16.s32 v13  }
.LBB1_5:
0x50: {  	v12 =	vld [tilespmem:s22+$0xFFFFFE70];
	[tilespmem:s20+$0x30] =	vst v10;
	v8 =	vpack.i.b32.b16 v11, v8;
	v10 =	vunpack.i.u.s16.s32 v4;
	v4 =	vunpack.i.l.s16.s32 v4  }
0x51: {  	s21 =	sadd.s32 $0x2, s21;
	v7 =	vpack.i.b32.b16 v9, v7;
	v11 =	vld [tilespmem:s22+$0x70];
	[tilespmem:s20+$0xFFFFFFC0] =	vst v8;
	v8 =	vunpack.i.u.s16.s32 v6;
	v6 =	vunpack.i.l.s16.s32 v6  }
0x52: {  	p0 =	slt.u32 s21, $0x6;
	v9 =	vld [tilespmem:s22+$0x0];
	[tilespmem:s20+$0x40] =	vst v7;
	v4 =	vpack.i.b32.b16 v6, v4;
	v6 =	vunpack.i.u.s16.s32 v2;
	v2 =	vunpack.i.l.s16.s32 v2  }
0x53: {  	v7 =	vld [tilespmem:s22+$0xFFFFFE10];
	[tilespmem:s20+$0xFFFFFFD0] =	vst v4;
	v4 =	vpack.i.b32.b16 v8, v10;
	v8 =	vunpack.i.u.s16.s32 v3;
	v3 =	vunpack.i.l.s16.s32 v3  }
0x54: {  	v10 =	vld [tilespmem:s22+$0x10];
	v13 =	vunpack.i.u.s16.s32 v5;
	v5 =	vunpack.i.l.s16.s32 v5;
	[tilespmem:s20+$0x50] =	vst v4;
	v2 =	vpack.i.b32.b16 v3, v2  }
0x55: {  	v3 =	vld [tilespmem:s22+$0xFFFFFE20];
	v4 =	vunpack.i.l.s16.s32 v12;
	v1 =	vpack.i.b32.b16 v1, v5;
	v5 =	vpack.i.b32.b16 v0, v13;
	[tilespmem:s20+$0xFFFFFFE0] =	vst v2  }
0x56: {  	v12 =	vunpack.i.u.s16.s32 v12;
	v2 =	vld [tilespmem:s22+$0x20];
	v13 =	vunpack.i.u.s16.s32 v11;
	v11 =	vunpack.i.l.s16.s32 v11;
	[tilespmem:s20+$0xFFFFFF80] =	vst v1  }
0x57: {  	s20 =	sadd.s32 $0x100, s20;
	v0 =	vunpack.i.u.s16.s32 v9;
	v1 =	vunpack.i.l.s16.s32 v9;
	v9 =	vld [tilespmem:s22+$0xFFFFFE30];
	v12 =	vpack.i.b32.b16 v13, v12;
	[tilespmem:s19+$0x0] =	vst v5  }
0x58: {  	v6 =	vpack.i.b32.b16 v8, v6;
	v5 =	vunpack.i.u.s16.s32 v7;
	v7 =	vunpack.i.l.s16.s32 v7;
	v13 =	vld [tilespmem:s22+$0x30];
	[tilespmem:s20+$0x70] =	vst v12  }
0x59: {  	v4 =	vpack.i.b32.b16 v11, v4;
	v8 =	vunpack.i.u.s16.s32 v10;
	v10 =	vunpack.i.l.s16.s32 v10;
	v12 =	vld [tilespmem:s22+$0xFFFFFE40];
	[tilespmem:s19+$0x60] =	vst v6;
	s19 =	smov.u32 s20  }
0x5a: {  	v6 =	vpack.i.b32.b16 v10, v7;
	v7 =	vunpack.i.u.s16.s32 v3;
	v3 =	vunpack.i.l.s16.s32 v3;
	v11 =	vld [tilespmem:s22+$0x40];
	[tilespmem:s20+$0xFFFFFFF0] =	vst v4  }
.Ltmp4:
0x5b: {  	v5 =	vpack.i.b32.b16 v8, v5;
	[tilespmem:s20+$0xFFFFFF90] =	vst v6;
	v8 =	vunpack.i.u.s16.s32 v2;
	v2 =	vunpack.i.l.s16.s32 v2;
	v4 =	vld [tilespmem:s22+$0xFFFFFE50];
	(pc) =	sbr.rel @p0 .LBB1_5-.Ltmp4, $4  }
0x5c: {  	[tilespmem:s20+$0x10] =	vst v5;
	v2 =	vpack.i.b32.b16 v2, v3;
	v10 =	vunpack.i.u.s16.s32 v9;
	v3 =	vunpack.i.l.s16.s32 v9;
	v6 =	vld [tilespmem:s22+$0x50]  }
0x5d: {  	v5 =	vpack.i.b32.b16 v8, v7;
	[tilespmem:s20+$0xFFFFFFA0] =	vst v2;
	v9 =	vunpack.i.u.s16.s32 v13;
	v7 =	vunpack.i.l.s16.s32 v13;
	v2 =	vld [tilespmem:s22+$0xFFFFFE60]  }
0x5e: {  	[tilespmem:s20+$0x20] =	vst v5;
	v13 =	vpack.i.b32.b16 v7, v3;
	v7 =	vunpack.i.u.s16.s32 v12;
	v8 =	vunpack.i.l.s16.s32 v12;
	v3 =	vld [tilespmem:s22+$0x60]  }
0x5f: {  	v10 =	vpack.i.b32.b16 v9, v10;
	v5 =	vld [tilespmem:s22+$0xFFFFFE00];
	[tilespmem:s20+$0xFFFFFFB0] =	vst v13;
	v9 =	vunpack.i.u.s16.s32 v11;
	v11 =	vunpack.i.l.s16.s32 v11;
	s22 =	sadd.s32 $0x80, s22  }
0x60: {  	[tilespmem:s20+$0x30] =	vst v10;
	v8 =	vpack.i.b32.b16 v11, v8  }
0x61: {  	v51 =	vunpack.i.l.s16.s32 v4;
	v7 =	vpack.i.b32.b16 v9, v7;
	[tilespmem:s20+$0xFFFFFFC0] =	vst v8;
	v52 =	vunpack.i.l.s16.s32 v6  }
0x62: {  	v53 =	vunpack.i.u.s16.s32 v4;
	s18 =	sadd.s32 $0x1, s18;
	v54 =	vunpack.i.u.s16.s32 v6;
	[tilespmem:s20+$0x40] =	vst v7;
	v55 =	vpack.i.b32.b16 v52, v51  }
0x63: {  	p0 =	sne.s32 s18, s15;
	v56 =	vunpack.i.l.s16.s32 v2;
	v4 =	vpack.i.b32.b16 v54, v53;
	[tilespmem:s20+$0xFFFFFFD0] =	vst v55;
	v57 =	vunpack.i.l.s16.s32 v3  }
.Ltmp5:
0x64: {  	[tilespmem:s20+$0x50] =	vst v4;
	v58 =	vunpack.i.l.s16.s32 v5;
	v59 =	vpack.i.b32.b16 v57, v56;
	(pc) =	sbr.rel @p0 .LBB1_4-.Ltmp5, $4  }
.Ltmp6:
0x65: {  	v61 =	vunpack.i.u.s16.s32 v2;
	v62 =	vunpack.i.u.s16.s32 v3;
	v1 =	vpack.i.b32.b16 v1, v58;
	[tilespmem:s20+$0xFFFFFFE0] =	vst v59;
	(pc) =	sbr.rel @!p0 .LBB1_7-.Ltmp6, $4  }
0x66: {  	v60 =	vunpack.i.u.s16.s32 v5;
	v63 =	vpack.i.b32.b16 v62, v61;
	[tilespmem:s20+$0xFFFFFF80] =	vst v1  }
0x67: {  	v0 =	vpack.i.b32.b16 v0, v60;
	[tilespmem:s19+$0x60] =	vst v63  }
0x68: {  	s16 =	sadd.s32 $0x400, s16;
	s17 =	sadd.s32 $0x400, s17;
	[tilespmem:s19+$0x0] =	vst v0  }
0x69: {  	_ = 	snop  }
.LBB1_9:
0x6a: {  	_ =	sfence.sel $0x180000  }
0x6b: {  	s2 =	simm.s32 $0x1;
	[bflag:$0x0] =	sbarrier.arrive $0xFFFF  }
0x6c: {  	s31 =	simm.s32 $0x2;
	[sflag:s2] =	ssyncpa.u1 $0x1  }
0x6d: {  	[sflag:s31] =	ssyncpa.u1 $0x1  }
0x6e: {  	p0 =	sne.s32 s1, $0x0;
	_ =	strace $0x9000004A  }
0x6f: {  	s0 =	sadd.s32 @!p0 $0x100000, s0;
	[bflag:$0x2] =	sbarrier.arrive $0xFFFF  }
0x70: {  	[sflag:s0] =	ssyncadd.tile.s32 @!p0 $0x1;
	_ =	shalt  }
.Lfunc_end1:
_tile_overlayer_lowered:
.L_overlay_start_2:
0x71: {  	(tag) =	ssettag $0x2  }
0x72: {  	s0 =	rddreg [dreg:$0x0];
	s2 =	stileid.u32  }
0x73: {  	s1 =	rddreg [dreg:$0x1];
	p0 =	sne.s32 s2, $0x0  }
0x74: {  	s3 =	rddreg [dreg:$0x2];
	[bflag:$0x3] =	sbarrier.arrive $0xFFFF;
	s2 =	simm.s32 @!p0 $0x1C01  }
0x75: {  	[timem:s3], [sflag:s2] =	dma.local @!p0 [hbm:s0], s1  }
0x76: {  	s0 =	simm.s32 @!p0 $0x1  }
0x77: {  	_ =	swait.ge @!p0 [sflag:s0], s1  }
0x78: {  	s1 =	ssub.s32 @!p0 $0x0, s1;
	[sflag:s0] =	ssyncset.done @!p0 $0x0  }
0x79: {  	[sflag:s0] =	ssyncadd.s32 @!p0 s1  }
0x7a: {  	[bflag:$0x3] =	sbarrier.arrive $0xFFFF  }
0x7b: {  	_ =	shalt  }

</sc_bundles>
